<compile_context>
chip_gen: v7x
topology: tpu7x:2x2x1
jax: 0.10.2.dev20260603
libtpu: 0.0.44.dev20260713+nightly
codegen_flags: <defaults>
</compile_context>

<pallas_src>
import functools

import jax
import jax.numpy as jnp
from jax import lax
from jax.experimental import pallas as pl
from jax.experimental.pallas import tpu as pltpu
from jax.experimental.pallas import tpu_sc as plsc

N_NODES = 9992
D = 32
B = 16384

NC = 2
NS = 16
NW = NC * NS
BPW = B // NW
L = 16


RP = N_NODES * D // 128


def _tc_norm_body(emb_ref, gamma_ref, beta_ref, out_ref):
    x = emb_ref[...]
    l4 = lax.broadcasted_iota(jnp.int32, (128, 4), 0)
    c4 = lax.broadcasted_iota(jnp.int32, (128, 4), 1)
    G = (l4 // D == c4).astype(jnp.float32)
    ld = lax.broadcasted_iota(jnp.int32, (128, D), 0)
    cd = lax.broadcasted_iota(jnp.int32, (128, D), 1)
    F = (ld % D == cd).astype(jnp.float32)

    sumsq = jax.lax.dot(x * x, G)
    norm = jnp.sqrt(sumsq)
    scale4 = jnp.minimum(1.0, 1.0 / jnp.maximum(norm, 1e-7))
    xs = x * jax.lax.dot(scale4, G.T)

    s1 = jnp.sum(xs, axis=0, keepdims=True)
    mean = jax.lax.dot(s1, F) / N_NODES
    xc = xs - jax.lax.dot(mean, F.T)
    s2 = jnp.sum(xc * xc, axis=0, keepdims=True)
    var = jax.lax.dot(s2, F) / N_NODES
    a = gamma_ref[...] / jnp.sqrt(var + 1e-5)
    c = beta_ref[...] - mean * a
    y = xs * jax.lax.dot(a, F.T) + jax.lax.dot(c, F.T)
    out_ref[...] = y.reshape(N_NODES * D)


def _normalize_table(emb_head2, bn_gamma, bn_beta):
    flat = pl.pallas_call(
        _tc_norm_body,
        out_shape=jax.ShapeDtypeStruct((N_NODES * D,), jnp.float32),
    )(emb_head2, bn_gamma.reshape(1, D), bn_beta.reshape(1, D))
    return flat.reshape(N_NODES, D)


def _sc_scores_body(embs_hbm, rel_hbm, hidx_hbm, ridx_hbm, tidx_hbm, out_hbm,
                    hidx_v, ridx_v, tidx_v, hrows, rrows, trows, scores_v,
                    sem):
    wid = lax.axis_index("s") * NC + lax.axis_index("c")
    base = wid * BPW

    pltpu.sync_copy(hidx_hbm.at[wid], hidx_v)
    pltpu.sync_copy(ridx_hbm.at[wid], ridx_v)
    pltpu.sync_copy(tidx_hbm.at[wid], tidx_v)
    copies = [
        pltpu.async_copy(embs_hbm.at[hidx_v], hrows, sem),
        pltpu.async_copy(rel_hbm.at[ridx_v], rrows, sem),
        pltpu.async_copy(embs_hbm.at[tidx_v], trows, sem),
    ]
    for c in copies:
        c.wait()

    lanes = lax.iota(jnp.int32, L)

    def group_body(g, carry):
        e0 = g * L
        acc = jnp.zeros((L,), jnp.float32)
        for k in range(L):
            e = e0 + k
            v = (hrows[e, pl.ds(0, L)] * rrows[e, pl.ds(0, L)]
                 * trows[e, pl.ds(0, L)])
            v += (hrows[e, pl.ds(L, L)] * rrows[e, pl.ds(L, L)]
                  * trows[e, pl.ds(L, L)])
            s = jnp.sum(v)
            acc = jnp.where(lanes == k, s, acc)
        scores_v[pl.ds(e0, L)] = acc
        return carry

    lax.fori_loop(0, BPW // L, group_body, 0)
    pltpu.sync_copy(scores_v, out_hbm.at[pl.ds(base, BPW)])


def _sc_scores(embs, rel_table, hidx, ridx, tidx):
    mesh = plsc.VectorSubcoreMesh(core_axis_name="c", subcore_axis_name="s")
    kern = functools.partial(
        pl.kernel,
        out_type=jax.ShapeDtypeStruct((B,), jnp.float32),
        mesh=mesh,
        compiler_params=pltpu.CompilerParams(
            use_tc_tiling_on_sc=False, needs_layout_passes=False),
        scratch_types=[
            pltpu.VMEM((BPW,), jnp.int32),
            pltpu.VMEM((BPW,), jnp.int32),
            pltpu.VMEM((BPW,), jnp.int32),
            pltpu.VMEM((BPW, D), jnp.float32),
            pltpu.VMEM((BPW, D), jnp.float32),
            pltpu.VMEM((BPW, D), jnp.float32),
            pltpu.VMEM((BPW,), jnp.float32),
            pltpu.SemaphoreType.DMA,
        ],
    )(_sc_scores_body)
    return kern(embs, rel_table, hidx, ridx, tidx)


def _tc_loss_body(s_ref, preds_ref, loss_ref):
    s = s_ref[...]
    preds_ref[...] = jax.nn.sigmoid(s)
    sp = jnp.maximum(-s, 0.0) + jnp.log1p(jnp.exp(-jnp.abs(s)))
    loss_ref[...] = jnp.mean(sp).reshape(1, 1)


def _preds_loss(scores):
    s2d = scores.reshape(B // 128, 128)
    preds2d, loss2d = pl.pallas_call(
        _tc_loss_body,
        out_shape=(
            jax.ShapeDtypeStruct((B // 128, 128), jnp.float32),
            jax.ShapeDtypeStruct((1, 1), jnp.float32),
        ),
    )(s2d)
    return preds2d.reshape(B), loss2d[0, 0]


def kernel(pos_edges, emb_table, bn_gamma, bn_beta, rel_table):
    emb2 = emb_table[:N_NODES].reshape(RP, 128)
    embs = _normalize_table(emb2, bn_gamma, bn_beta)
    hidx = pos_edges[:, 0].astype(jnp.int32).reshape(NW, BPW)
    ridx = pos_edges[:, 1].astype(jnp.int32).reshape(NW, BPW)
    tidx = pos_edges[:, 2].astype(jnp.int32).reshape(NW, BPW)
    scores = _sc_scores(embs, rel_table, hidx, ridx, tidx)
    preds, loss = _preds_loss(scores)
    return (loss, preds)

# --- scband reference (transcript-rebuilt; emitter-appended) ---
"""Pipeline reference for scband-simple-gcmc-10831907520712 (READ-ONLY COPY).

The authoritative reference and input builder live on the scoring server;
editing this copy changes nothing except your own understanding.
"""

import jax, jax.numpy as jnp
import numpy as np

NUM_ENT = 1000000
EMBED_DIM = 32
NUM_NODES = 9992  # hardcoded all_nodes range in the torch module
NUM_RELS = 9992
BATCH = 16384


def setup_inputs(seed: int = 0) -> dict:
    key = jax.random.key(seed)
    k1, k2, k3 = jax.random.split(key, 3)
    pos_edges = jax.random.randint(k1, (BATCH, 3), 0, NUM_NODES)
    r = 6.0 / np.sqrt(EMBED_DIM)
    emb_table = jax.random.uniform(k2, (NUM_ENT, EMBED_DIM), minval=-r, maxval=r, dtype=jnp.float32)
    # mimic .renorm_(p=2, dim=1, maxnorm=1) at init
    norms = jnp.linalg.norm(emb_table, axis=1, keepdims=True)
    emb_table = emb_table * jnp.minimum(1.0, 1.0 / jnp.maximum(norms, 1e-7))
    rel_table = jax.random.normal(k3, (NUM_RELS, EMBED_DIM), dtype=jnp.float32) * 0.1
    bn_gamma = jnp.ones((EMBED_DIM,), dtype=jnp.float32)
    bn_beta = jnp.zeros((EMBED_DIM,), dtype=jnp.float32)
    return {"pos_edges": pos_edges, "emb_table": emb_table, "bn_gamma": bn_gamma, "bn_beta": bn_beta, "rel_table": rel_table}


def reference(pos_edges, emb_table, bn_gamma, bn_beta, rel_table):
    # encode(): embedding lookup of all 9992 nodes (with max_norm=1 renorm), then BatchNorm1d (train-mode batch stats)
    all_nodes = jnp.arange(NUM_NODES)
    embs = jnp.take(emb_table, all_nodes, axis=0)
    norms = jnp.linalg.norm(embs, axis=1, keepdims=True)
    scale = jnp.minimum(1.0, 1.0 / jnp.maximum(norms, 1e-7))  # torch max_norm renorm
    embs = embs * scale
    mean = jnp.mean(embs, axis=0)
    var = jnp.var(embs, axis=0)
    embs = (embs - mean) / jnp.sqrt(var + 1e-5) * bn_gamma + bn_beta
    heads = jnp.take(embs, pos_edges[:, 0], axis=0)
    tails = jnp.take(embs, pos_edges[:, 2], axis=0)
    rels = pos_edges[:, 1]
    # DistMult-style bilinear decoder (GCMC decoder): score = <h, R_rel, t>; BCE loss vs positive labels
    r_emb = jnp.take(rel_table, rels, axis=0)
    scores = jnp.sum(heads * r_emb * tails, axis=-1)
    preds = jax.nn.sigmoid(scores)
    loss = jnp.mean(jax.nn.softplus(-scores))
    return (loss, preds)

if __name__ == "__main__":
    import jax
    _d = setup_inputs()
    print(jax.jit(kernel)(*tuple(_d.values())))

</pallas_src>

<mosaic_0001>
#map = affine_map<(d0, d1) -> (0, 0)>
#map1 = affine_map<(d0, d1) -> (0)>
module attributes {stable_mosaic.version = 14 : i64} {
  func.func @_sc_scores_body(%arg0: i32, %arg1: i32, %arg2: memref<9992x32xf32, #tpu.memory_space<hbm>>, %arg3: memref<9992x32xf32, #tpu.memory_space<hbm>>, %arg4: memref<32x512xi32, #tpu.memory_space<hbm>>, %arg5: memref<32x512xi32, #tpu.memory_space<hbm>>, %arg6: memref<32x512xi32, #tpu.memory_space<hbm>>, %arg7: memref<16384xf32, #tpu.memory_space<hbm>>, %arg8: memref<512xi32, #tpu.memory_space<vmem>>, %arg9: memref<512xi32, #tpu.memory_space<vmem>>, %arg10: memref<512xi32, #tpu.memory_space<vmem>>, %arg11: memref<512x32xf32, #tpu.memory_space<vmem>>, %arg12: memref<512x32xf32, #tpu.memory_space<vmem>>, %arg13: memref<512x32xf32, #tpu.memory_space<vmem>>, %arg14: memref<512xf32, #tpu.memory_space<vmem>>, %arg15: memref<!tpu.dma_semaphore, #tpu.memory_space<semaphore_mem>>) attributes {dimension_semantics = [#tpu.dimension_semantics<core_parallel>, #tpu.dimension_semantics<subcore_parallel>], iteration_bounds = array<i64: 2, 16>, scalar_prefetch = 0 : i64, scratch_operands = 8 : i64, tpu.core_type = #tpu.core_type<sc_vector_subcore>, window_params = [{transform_indices = #map}, {transform_indices = #map}, {transform_indices = #map}, {transform_indices = #map}, {transform_indices = #map}, {transform_indices = #map1}]} {
    %mul3A = arith.constant 2 : i32
    %mul3A_0 = arith.muli %arg1, %mul3A : i32
    %add3A = arith.addi %mul3A_0, %arg0 : i32
    %mul3A_1 = arith.constant 512 : i32
    %mul3A_2 = arith.muli %add3A, %mul3A_1 : i32
    "tpu.region"() ({
      %run_scoped3A = tpu.sem_alloc : memref<!tpu.dma_semaphore, #tpu.memory_space<semaphore_mem>>
      %dma_start3A_24 = arith.constant 0 : i32
      %dma_start3A_25 = tpu.memref_slice %arg4[%add3A, %dma_start3A_24] : memref<32x512xi32, #tpu.memory_space<hbm>> -> memref<1x512xi32, #tpu.memory_space<hbm>>
      %dma_start3A_26 = tpu.memref_squeeze %dma_start3A_25 : memref<1x512xi32, #tpu.memory_space<hbm>> -> memref<512xi32, #tpu.memory_space<hbm>>
      %dma_start3A_27 = arith.constant 0 : i32
      %dma_start3A_28 = tpu.memref_slice %arg4[%add3A, %dma_start3A_27] : memref<32x512xi32, #tpu.memory_space<hbm>> -> memref<1x512xi32, #tpu.memory_space<hbm>>
      %dma_start3A_29 = tpu.memref_squeeze %dma_start3A_28 : memref<1x512xi32, #tpu.memory_space<hbm>> -> memref<512xi32, #tpu.memory_space<hbm>>
      tpu.enqueue_dma source(%dma_start3A_29 : memref<512xi32, #tpu.memory_space<hbm>>) target(%arg8 : memref<512xi32, #tpu.memory_space<vmem>>) target_semaphore(%run_scoped3A : memref<!tpu.dma_semaphore, #tpu.memory_space<semaphore_mem>>)
      %dma_wait3A_30 = arith.constant 0 : i32
      %dma_wait3A_31 = tpu.memref_slice %arg4[%add3A, %dma_wait3A_30] : memref<32x512xi32, #tpu.memory_space<hbm>> -> memref<1x512xi32, #tpu.memory_space<hbm>>
      %dma_wait3A_32 = tpu.memref_squeeze %dma_wait3A_31 : memref<1x512xi32, #tpu.memory_space<hbm>> -> memref<512xi32, #tpu.memory_space<hbm>>
      %dma_wait3A_33 = arith.constant 0 : i32
      %dma_wait3A_34 = tpu.memref_slice %arg4[%add3A, %dma_wait3A_33] : memref<32x512xi32, #tpu.memory_space<hbm>> -> memref<1x512xi32, #tpu.memory_space<hbm>>
      %dma_wait3A_35 = tpu.memref_squeeze %dma_wait3A_34 : memref<1x512xi32, #tpu.memory_space<hbm>> -> memref<512xi32, #tpu.memory_space<hbm>>
      tpu.wait_dma2 semaphore(%run_scoped3A : memref<!tpu.dma_semaphore, #tpu.memory_space<semaphore_mem>>) src(%dma_wait3A_35 : memref<512xi32, #tpu.memory_space<hbm>>) dst(%arg8 : memref<512xi32, #tpu.memory_space<vmem>>)
      tpu.yield
    }) : () -> ()
    "tpu.region"() ({
      %run_scoped3A = tpu.sem_alloc : memref<!tpu.dma_semaphore, #tpu.memory_space<semaphore_mem>>
      %dma_start3A_24 = arith.constant 0 : i32
      %dma_start3A_25 = tpu.memref_slice %arg5[%add3A, %dma_start3A_24] : memref<32x512xi32, #tpu.memory_space<hbm>> -> memref<1x512xi32, #tpu.memory_space<hbm>>
      %dma_start3A_26 = tpu.memref_squeeze %dma_start3A_25 : memref<1x512xi32, #tpu.memory_space<hbm>> -> memref<512xi32, #tpu.memory_space<hbm>>
      %dma_start3A_27 = arith.constant 0 : i32
      %dma_start3A_28 = tpu.memref_slice %arg5[%add3A, %dma_start3A_27] : memref<32x512xi32, #tpu.memory_space<hbm>> -> memref<1x512xi32, #tpu.memory_space<hbm>>
      %dma_start3A_29 = tpu.memref_squeeze %dma_start3A_28 : memref<1x512xi32, #tpu.memory_space<hbm>> -> memref<512xi32, #tpu.memory_space<hbm>>
      tpu.enqueue_dma source(%dma_start3A_29 : memref<512xi32, #tpu.memory_space<hbm>>) target(%arg9 : memref<512xi32, #tpu.memory_space<vmem>>) target_semaphore(%run_scoped3A : memref<!tpu.dma_semaphore, #tpu.memory_space<semaphore_mem>>)
      %dma_wait3A_30 = arith.constant 0 : i32
      %dma_wait3A_31 = tpu.memref_slice %arg5[%add3A, %dma_wait3A_30] : memref<32x512xi32, #tpu.memory_space<hbm>> -> memref<1x512xi32, #tpu.memory_space<hbm>>
      %dma_wait3A_32 = tpu.memref_squeeze %dma_wait3A_31 : memref<1x512xi32, #tpu.memory_space<hbm>> -> memref<512xi32, #tpu.memory_space<hbm>>
      %dma_wait3A_33 = arith.constant 0 : i32
      %dma_wait3A_34 = tpu.memref_slice %arg5[%add3A, %dma_wait3A_33] : memref<32x512xi32, #tpu.memory_space<hbm>> -> memref<1x512xi32, #tpu.memory_space<hbm>>
      %dma_wait3A_35 = tpu.memref_squeeze %dma_wait3A_34 : memref<1x512xi32, #tpu.memory_space<hbm>> -> memref<512xi32, #tpu.memory_space<hbm>>
      tpu.wait_dma2 semaphore(%run_scoped3A : memref<!tpu.dma_semaphore, #tpu.memory_space<semaphore_mem>>) src(%dma_wait3A_35 : memref<512xi32, #tpu.memory_space<hbm>>) dst(%arg9 : memref<512xi32, #tpu.memory_space<vmem>>)
      tpu.yield
    }) : () -> ()
    "tpu.region"() ({
      %run_scoped3A = tpu.sem_alloc : memref<!tpu.dma_semaphore, #tpu.memory_space<semaphore_mem>>
      %dma_start3A_24 = arith.constant 0 : i32
      %dma_start3A_25 = tpu.memref_slice %arg6[%add3A, %dma_start3A_24] : memref<32x512xi32, #tpu.memory_space<hbm>> -> memref<1x512xi32, #tpu.memory_space<hbm>>
      %dma_start3A_26 = tpu.memref_squeeze %dma_start3A_25 : memref<1x512xi32, #tpu.memory_space<hbm>> -> memref<512xi32, #tpu.memory_space<hbm>>
      %dma_start3A_27 = arith.constant 0 : i32
      %dma_start3A_28 = tpu.memref_slice %arg6[%add3A, %dma_start3A_27] : memref<32x512xi32, #tpu.memory_space<hbm>> -> memref<1x512xi32, #tpu.memory_space<hbm>>
      %dma_start3A_29 = tpu.memref_squeeze %dma_start3A_28 : memref<1x512xi32, #tpu.memory_space<hbm>> -> memref<512xi32, #tpu.memory_space<hbm>>
      tpu.enqueue_dma source(%dma_start3A_29 : memref<512xi32, #tpu.memory_space<hbm>>) target(%arg10 : memref<512xi32, #tpu.memory_space<vmem>>) target_semaphore(%run_scoped3A : memref<!tpu.dma_semaphore, #tpu.memory_space<semaphore_mem>>)
      %dma_wait3A_30 = arith.constant 0 : i32
      %dma_wait3A_31 = tpu.memref_slice %arg6[%add3A, %dma_wait3A_30] : memref<32x512xi32, #tpu.memory_space<hbm>> -> memref<1x512xi32, #tpu.memory_space<hbm>>
      %dma_wait3A_32 = tpu.memref_squeeze %dma_wait3A_31 : memref<1x512xi32, #tpu.memory_space<hbm>> -> memref<512xi32, #tpu.memory_space<hbm>>
      %dma_wait3A_33 = arith.constant 0 : i32
      %dma_wait3A_34 = tpu.memref_slice %arg6[%add3A, %dma_wait3A_33] : memref<32x512xi32, #tpu.memory_space<hbm>> -> memref<1x512xi32, #tpu.memory_space<hbm>>
      %dma_wait3A_35 = tpu.memref_squeeze %dma_wait3A_34 : memref<1x512xi32, #tpu.memory_space<hbm>> -> memref<512xi32, #tpu.memory_space<hbm>>
      tpu.wait_dma2 semaphore(%run_scoped3A : memref<!tpu.dma_semaphore, #tpu.memory_space<semaphore_mem>>) src(%dma_wait3A_35 : memref<512xi32, #tpu.memory_space<hbm>>) dst(%arg10 : memref<512xi32, #tpu.memory_space<vmem>>)
      tpu.yield
    }) : () -> ()
    %dma_start3A = arith.constant 0 : i32
    %dma_start3A_3 = arith.constant 0 : i32
    %dma_start3A_4 = tpu.memref_slice %arg2[%dma_start3A, %dma_start3A_3] : memref<9992x32xf32, #tpu.memory_space<hbm>> -> memref<9992x32xf32, #tpu.memory_space<hbm>>
    tpu.enqueue_indirect_dma source(%dma_start3A_4 : memref<9992x32xf32, #tpu.memory_space<hbm>>) target(%arg11 : memref<512x32xf32, #tpu.memory_space<vmem>>) offsets(%arg8 : memref<512xi32, #tpu.memory_space<vmem>>) semaphore(%arg15 : memref<!tpu.dma_semaphore, #tpu.memory_space<semaphore_mem>>)
    %dma_start3A_5 = arith.constant 0 : i32
    %dma_start3A_6 = arith.constant 0 : i32
    %dma_start3A_7 = tpu.memref_slice %arg3[%dma_start3A_5, %dma_start3A_6] : memref<9992x32xf32, #tpu.memory_space<hbm>> -> memref<9992x32xf32, #tpu.memory_space<hbm>>
    tpu.enqueue_indirect_dma source(%dma_start3A_7 : memref<9992x32xf32, #tpu.memory_space<hbm>>) target(%arg12 : memref<512x32xf32, #tpu.memory_space<vmem>>) offsets(%arg9 : memref<512xi32, #tpu.memory_space<vmem>>) semaphore(%arg15 : memref<!tpu.dma_semaphore, #tpu.memory_space<semaphore_mem>>)
    %dma_start3A_8 = arith.constant 0 : i32
    %dma_start3A_9 = arith.constant 0 : i32
    %dma_start3A_10 = tpu.memref_slice %arg2[%dma_start3A_8, %dma_start3A_9] : memref<9992x32xf32, #tpu.memory_space<hbm>> -> memref<9992x32xf32, #tpu.memory_space<hbm>>
    tpu.enqueue_indirect_dma source(%dma_start3A_10 : memref<9992x32xf32, #tpu.memory_space<hbm>>) target(%arg13 : memref<512x32xf32, #tpu.memory_space<vmem>>) offsets(%arg10 : memref<512xi32, #tpu.memory_space<vmem>>) semaphore(%arg15 : memref<!tpu.dma_semaphore, #tpu.memory_space<semaphore_mem>>)
    %dma_wait3A = arith.constant 0 : i32
    %dma_wait3A_11 = arith.constant 0 : i32
    %dma_wait3A_12 = tpu.memref_slice %arg2[%dma_wait3A, %dma_wait3A_11] : memref<9992x32xf32, #tpu.memory_space<hbm>> -> memref<9992x32xf32, #tpu.memory_space<hbm>>
    tpu.wait_indirect_dma semaphore(%arg15 : memref<!tpu.dma_semaphore, #tpu.memory_space<semaphore_mem>>) src(%dma_wait3A_12 : memref<9992x32xf32, #tpu.memory_space<hbm>>) dst(%arg11 : memref<512x32xf32, #tpu.memory_space<vmem>>)
    %dma_wait3A_13 = arith.constant 0 : i32
    %dma_wait3A_14 = arith.constant 0 : i32
    %dma_wait3A_15 = tpu.memref_slice %arg3[%dma_wait3A_13, %dma_wait3A_14] : memref<9992x32xf32, #tpu.memory_space<hbm>> -> memref<9992x32xf32, #tpu.memory_space<hbm>>
    tpu.wait_indirect_dma semaphore(%arg15 : memref<!tpu.dma_semaphore, #tpu.memory_space<semaphore_mem>>) src(%dma_wait3A_15 : memref<9992x32xf32, #tpu.memory_space<hbm>>) dst(%arg12 : memref<512x32xf32, #tpu.memory_space<vmem>>)
    %dma_wait3A_16 = arith.constant 0 : i32
    %dma_wait3A_17 = arith.constant 0 : i32
    %dma_wait3A_18 = tpu.memref_slice %arg2[%dma_wait3A_16, %dma_wait3A_17] : memref<9992x32xf32, #tpu.memory_space<hbm>> -> memref<9992x32xf32, #tpu.memory_space<hbm>>
    tpu.wait_indirect_dma semaphore(%arg15 : memref<!tpu.dma_semaphore, #tpu.memory_space<semaphore_mem>>) src(%dma_wait3A_18 : memref<9992x32xf32, #tpu.memory_space<hbm>>) dst(%arg13 : memref<512x32xf32, #tpu.memory_space<vmem>>)
    %iota3A = tpu.iota {dimensions = array<i32: 0>} : vector<16xi32>
    %scan3A = arith.constant 0 : i32
    %scan3A_19 = arith.constant 0 : i32
    %scan3A_20 = arith.constant 32 : i32
    %scan3A_21 = arith.addi %scan3A_19, %scan3A_20 : i32
    %scan3A_22 = arith.constant 1 : i32
    scf.for %scan3A_24 = %scan3A_19 to %scan3A_21 step %scan3A_22  : i32 {
      %mul3A_25 = arith.constant 16 : i32
      %mul3A_26 = arith.muli %scan3A_24, %mul3A_25 : i32
      %broadcast_in_dim3A = arith.constant 0.000000e+00 : f32
      %broadcast_in_dim3A_27 = vector.broadcast %broadcast_in_dim3A : f32 to vector<16xf32>
      %add3A_28 = arith.constant 0 : i32
      %add3A_29 = arith.addi %mul3A_26, %add3A_28 : i32
      %get3A = arith.index_cast %add3A_29 : i32 to index
      %get3A_30 = arith.constant 0 : index
      %get3A_31 = tpu.vector_load %arg11[%get3A, %get3A_30] {strides = array<i32>} : memref<512x32xf32, #tpu.memory_space<vmem>>, vector<16xf32>,
      %get3A_32 = arith.index_cast %add3A_29 : i32 to index
      %get3A_33 = arith.constant 0 : index
      %get3A_34 = tpu.vector_load %arg12[%get3A_32, %get3A_33] {strides = array<i32>} : memref<512x32xf32, #tpu.memory_space<vmem>>, vector<16xf32>,
      %mul3A_35 = arith.mulf %get3A_31, %get3A_34 : vector<16xf32>
      %get3A_36 = arith.index_cast %add3A_29 : i32 to index
      %get3A_37 = arith.constant 0 : index
      %get3A_38 = tpu.vector_load %arg13[%get3A_36, %get3A_37] {strides = array<i32>} : memref<512x32xf32, #tpu.memory_space<vmem>>, vector<16xf32>,
      %mul3A_39 = arith.mulf %mul3A_35, %get3A_38 : vector<16xf32>
      %get3A_40 = arith.index_cast %add3A_29 : i32 to index
      %get3A_41 = arith.constant 16 : index
      %get3A_42 = tpu.vector_load %arg11[%get3A_40, %get3A_41] {strides = array<i32>} : memref<512x32xf32, #tpu.memory_space<vmem>>, vector<16xf32>,
      %get3A_43 = arith.index_cast %add3A_29 : i32 to index
      %get3A_44 = arith.constant 16 : index
      %get3A_45 = tpu.vector_load %arg12[%get3A_43, %get3A_44] {strides = array<i32>} : memref<512x32xf32, #tpu.memory_space<vmem>>, vector<16xf32>,
      %mul3A_46 = arith.mulf %get3A_42, %get3A_45 : vector<16xf32>
      %get3A_47 = arith.index_cast %add3A_29 : i32 to index
      %get3A_48 = arith.constant 16 : index
      %get3A_49 = tpu.vector_load %arg13[%get3A_47, %get3A_48] {strides = array<i32>} : memref<512x32xf32, #tpu.memory_space<vmem>>, vector<16xf32>,
      %mul3A_50 = arith.mulf %mul3A_46, %get3A_49 : vector<16xf32>
      %add3A_51 = arith.addf %mul3A_39, %mul3A_50 : vector<16xf32>
      %reduce_sum3A = arith.constant true
      %reduce_sum3A_52 = vector.broadcast %reduce_sum3A : i1 to vector<16xi1>
      %reduce_sum3A_53 = tpu.scan <sum>, %add3A_51 masked %reduce_sum3A_52 : vector<16xf32>, vector<16xi1> -> vector<16xf32>
      %reduce_sum3A_54 = vector.extract %reduce_sum3A_53[15] : f32 from vector<16xf32>
      %eq3A = arith.constant 0 : i32
      %eq3A_55 = vector.broadcast %eq3A : i32 to vector<16xi32>
      %eq3A_56 = arith.cmpi eq, %iota3A, %eq3A_55 : vector<16xi32>
      %broadcast_in_dim3A_57 = vector.broadcast %reduce_sum3A_54 : f32 to vector<16xf32>
      %select_n3A = arith.select %eq3A_56, %broadcast_in_dim3A_57, %broadcast_in_dim3A_27 : vector<16xi1>, vector<16xf32>
      %add3A_58 = arith.constant 1 : i32
      %add3A_59 = arith.addi %mul3A_26, %add3A_58 : i32
      %get3A_60 = arith.index_cast %add3A_59 : i32 to index
      %get3A_61 = arith.constant 0 : index
      %get3A_62 = tpu.vector_load %arg11[%get3A_60, %get3A_61] {strides = array<i32>} : memref<512x32xf32, #tpu.memory_space<vmem>>, vector<16xf32>,
      %get3A_63 = arith.index_cast %add3A_59 : i32 to index
      %get3A_64 = arith.constant 0 : index
      %get3A_65 = tpu.vector_load %arg12[%get3A_63, %get3A_64] {strides = array<i32>} : memref<512x32xf32, #tpu.memory_space<vmem>>, vector<16xf32>,
      %mul3A_66 = arith.mulf %get3A_62, %get3A_65 : vector<16xf32>
      %get3A_67 = arith.index_cast %add3A_59 : i32 to index
      %get3A_68 = arith.constant 0 : index
      %get3A_69 = tpu.vector_load %arg13[%get3A_67, %get3A_68] {strides = array<i32>} : memref<512x32xf32, #tpu.memory_space<vmem>>, vector<16xf32>,
      %mul3A_70 = arith.mulf %mul3A_66, %get3A_69 : vector<16xf32>
      %get3A_71 = arith.index_cast %add3A_59 : i32 to index
      %get3A_72 = arith.constant 16 : index
      %get3A_73 = tpu.vector_load %arg11[%get3A_71, %get3A_72] {strides = array<i32>} : memref<512x32xf32, #tpu.memory_space<vmem>>, vector<16xf32>,
      %get3A_74 = arith.index_cast %add3A_59 : i32 to index
      %get3A_75 = arith.constant 16 : index
      %get3A_76 = tpu.vector_load %arg12[%get3A_74, %get3A_75] {strides = array<i32>} : memref<512x32xf32, #tpu.memory_space<vmem>>, vector<16xf32>,
      %mul3A_77 = arith.mulf %get3A_73, %get3A_76 : vector<16xf32>
      %get3A_78 = arith.index_cast %add3A_59 : i32 to index
      %get3A_79 = arith.constant 16 : index
      %get3A_80 = tpu.vector_load %arg13[%get3A_78, %get3A_79] {strides = array<i32>} : memref<512x32xf32, #tpu.memory_space<vmem>>, vector<16xf32>,
      %mul3A_81 = arith.mulf %mul3A_77, %get3A_80 : vector<16xf32>
      %add3A_82 = arith.addf %mul3A_70, %mul3A_81 : vector<16xf32>
      %reduce_sum3A_83 = arith.constant true
      %reduce_sum3A_84 = vector.broadcast %reduce_sum3A_83 : i1 to vector<16xi1>
      %reduce_sum3A_85 = tpu.scan <sum>, %add3A_82 masked %reduce_sum3A_84 : vector<16xf32>, vector<16xi1> -> vector<16xf32>
      %reduce_sum3A_86 = vector.extract %reduce_sum3A_85[15] : f32 from vector<16xf32>
      %eq3A_87 = arith.constant 1 : i32
      %eq3A_88 = vector.broadcast %eq3A_87 : i32 to vector<16xi32>
      %eq3A_89 = arith.cmpi eq, %iota3A, %eq3A_88 : vector<16xi32>
      %broadcast_in_dim3A_90 = vector.broadcast %reduce_sum3A_86 : f32 to vector<16xf32>
      %select_n3A_91 = arith.select %eq3A_89, %broadcast_in_dim3A_90, %select_n3A : vector<16xi1>, vector<16xf32>
      %add3A_92 = arith.constant 2 : i32
      %add3A_93 = arith.addi %mul3A_26, %add3A_92 : i32
      %get3A_94 = arith.index_cast %add3A_93 : i32 to index
      %get3A_95 = arith.constant 0 : index
      %get3A_96 = tpu.vector_load %arg11[%get3A_94, %get3A_95] {strides = array<i32>} : memref<512x32xf32, #tpu.memory_space<vmem>>, vector<16xf32>,
      %get3A_97 = arith.index_cast %add3A_93 : i32 to index
      %get3A_98 = arith.constant 0 : index
      %get3A_99 = tpu.vector_load %arg12[%get3A_97, %get3A_98] {strides = array<i32>} : memref<512x32xf32, #tpu.memory_space<vmem>>, vector<16xf32>,
      %mul3A_100 = arith.mulf %get3A_96, %get3A_99 : vector<16xf32>
      %get3A_101 = arith.index_cast %add3A_93 : i32 to index
      %get3A_102 = arith.constant 0 : index
      %get3A_103 = tpu.vector_load %arg13[%get3A_101, %get3A_102] {strides = array<i32>} : memref<512x32xf32, #tpu.memory_space<vmem>>, vector<16xf32>,
      %mul3A_104 = arith.mulf %mul3A_100, %get3A_103 : vector<16xf32>
      %get3A_105 = arith.index_cast %add3A_93 : i32 to index
      %get3A_106 = arith.constant 16 : index
      %get3A_107 = tpu.vector_load %arg11[%get3A_105, %get3A_106] {strides = array<i32>} : memref<512x32xf32, #tpu.memory_space<vmem>>, vector<16xf32>,
      %get3A_108 = arith.index_cast %add3A_93 : i32 to index
      %get3A_109 = arith.constant 16 : index
      %get3A_110 = tpu.vector_load %arg12[%get3A_108, %get3A_109] {strides = array<i32>} : memref<512x32xf32, #tpu.memory_space<vmem>>, vector<16xf32>,
      %mul3A_111 = arith.mulf %get3A_107, %get3A_110 : vector<16xf32>
      %get3A_112 = arith.index_cast %add3A_93 : i32 to index
      %get3A_113 = arith.constant 16 : index
      %get3A_114 = tpu.vector_load %arg13[%get3A_112, %get3A_113] {strides = array<i32>} : memref<512x32xf32, #tpu.memory_space<vmem>>, vector<16xf32>,
      %mul3A_115 = arith.mulf %mul3A_111, %get3A_114 : vector<16xf32>
      %add3A_116 = arith.addf %mul3A_104, %mul3A_115 : vector<16xf32>
      %reduce_sum3A_117 = arith.constant true
      %reduce_sum3A_118 = vector.broadcast %reduce_sum3A_117 : i1 to vector<16xi1>
      %reduce_sum3A_119 = tpu.scan <sum>, %add3A_116 masked %reduce_sum3A_118 : vector<16xf32>, vector<16xi1> -> vector<16xf32>
      %reduce_sum3A_120 = vector.extract %reduce_sum3A_119[15] : f32 from vector<16xf32>
      %eq3A_121 = arith.constant 2 : i32
      %eq3A_122 = vector.broadcast %eq3A_121 : i32 to vector<16xi32>
      %eq3A_123 = arith.cmpi eq, %iota3A, %eq3A_122 : vector<16xi32>
      %broadcast_in_dim3A_124 = vector.broadcast %reduce_sum3A_120 : f32 to vector<16xf32>
      %select_n3A_125 = arith.select %eq3A_123, %broadcast_in_dim3A_124, %select_n3A_91 : vector<16xi1>, vector<16xf32>
      %add3A_126 = arith.constant 3 : i32
      %add3A_127 = arith.addi %mul3A_26, %add3A_126 : i32
      %get3A_128 = arith.index_cast %add3A_127 : i32 to index
      %get3A_129 = arith.constant 0 : index
      %get3A_130 = tpu.vector_load %arg11[%get3A_128, %get3A_129] {strides = array<i32>} : memref<512x32xf32, #tpu.memory_space<vmem>>, vector<16xf32>,
      %get3A_131 = arith.index_cast %add3A_127 : i32 to index
      %get3A_132 = arith.constant 0 : index
      %get3A_133 = tpu.vector_load %arg12[%get3A_131, %get3A_132] {strides = array<i32>} : memref<512x32xf32, #tpu.memory_space<vmem>>, vector<16xf32>,
      %mul3A_134 = arith.mulf %get3A_130, %get3A_133 : vector<16xf32>
      %get3A_135 = arith.index_cast %add3A_127 : i32 to index
      %get3A_136 = arith.constant 0 : index
      %get3A_137 = tpu.vector_load %arg13[%get3A_135, %get3A_136] {strides = array<i32>} : memref<512x32xf32, #tpu.memory_space<vmem>>, vector<16xf32>,
      %mul3A_138 = arith.mulf %mul3A_134, %get3A_137 : vector<16xf32>
      %get3A_139 = arith.index_cast %add3A_127 : i32 to index
      %get3A_140 = arith.constant 16 : index
      %get3A_141 = tpu.vector_load %arg11[%get3A_139, %get3A_140] {strides = array<i32>} : memref<512x32xf32, #tpu.memory_space<vmem>>, vector<16xf32>,
      %get3A_142 = arith.index_cast %add3A_127 : i32 to index
      %get3A_143 = arith.constant 16 : index
      %get3A_144 = tpu.vector_load %arg12[%get3A_142, %get3A_143] {strides = array<i32>} : memref<512x32xf32, #tpu.memory_space<vmem>>, vector<16xf32>,
      %mul3A_145 = arith.mulf %get3A_141, %get3A_144 : vector<16xf32>
      %get3A_146 = arith.index_cast %add3A_127 : i32 to index
      %get3A_147 = arith.constant 16 : index
      %get3A_148 = tpu.vector_load %arg13[%get3A_146, %get3A_147] {strides = array<i32>} : memref<512x32xf32, #tpu.memory_space<vmem>>, vector<16xf32>,
      %mul3A_149 = arith.mulf %mul3A_145, %get3A_148 : vector<16xf32>
      %add3A_150 = arith.addf %mul3A_138, %mul3A_149 : vector<16xf32>
      %reduce_sum3A_151 = arith.constant true
      %reduce_sum3A_152 = vector.broadcast %reduce_sum3A_151 : i1 to vector<16xi1>
      %reduce_sum3A_153 = tpu.scan <sum>, %add3A_150 masked %reduce_sum3A_152 : vector<16xf32>, vector<16xi1> -> vector<16xf32>
      %reduce_sum3A_154 = vector.extract %reduce_sum3A_153[15] : f32 from vector<16xf32>
      %eq3A_155 = arith.constant 3 : i32
      %eq3A_156 = vector.broadcast %eq3A_155 : i32 to vector<16xi32>
      %eq3A_157 = arith.cmpi eq, %iota3A, %eq3A_156 : vector<16xi32>
      %broadcast_in_dim3A_158 = vector.broadcast %reduce_sum3A_154 : f32 to vector<16xf32>
      %select_n3A_159 = arith.select %eq3A_157, %broadcast_in_dim3A_158, %select_n3A_125 : vector<16xi1>, vector<16xf32>
      %add3A_160 = arith.constant 4 : i32
      %add3A_161 = arith.addi %mul3A_26, %add3A_160 : i32
      %get3A_162 = arith.index_cast %add3A_161 : i32 to index
      %get3A_163 = arith.constant 0 : index
      %get3A_164 = tpu.vector_load %arg11[%get3A_162, %get3A_163] {strides = array<i32>} : memref<512x32xf32, #tpu.memory_space<vmem>>, vector<16xf32>,
      %get3A_165 = arith.index_cast %add3A_161 : i32 to index
      %get3A_166 = arith.constant 0 : index
      %get3A_167 = tpu.vector_load %arg12[%get3A_165, %get3A_166] {strides = array<i32>} : memref<512x32xf32, #tpu.memory_space<vmem>>, vector<16xf32>,
      %mul3A_168 = arith.mulf %get3A_164, %get3A_167 : vector<16xf32>
      %get3A_169 = arith.index_cast %add3A_161 : i32 to index
      %get3A_170 = arith.constant 0 : index
      %get3A_171 = tpu.vector_load %arg13[%get3A_169, %get3A_170] {strides = array<i32>} : memref<512x32xf32, #tpu.memory_space<vmem>>, vector<16xf32>,
      %mul3A_172 = arith.mulf %mul3A_168, %get3A_171 : vector<16xf32>
      %get3A_173 = arith.index_cast %add3A_161 : i32 to index
      %get3A_174 = arith.constant 16 : index
      %get3A_175 = tpu.vector_load %arg11[%get3A_173, %get3A_174] {strides = array<i32>} : memref<512x32xf32, #tpu.memory_space<vmem>>, vector<16xf32>,
      %get3A_176 = arith.index_cast %add3A_161 : i32 to index
      %get3A_177 = arith.constant 16 : index
      %get3A_178 = tpu.vector_load %arg12[%get3A_176, %get3A_177] {strides = array<i32>} : memref<512x32xf32, #tpu.memory_space<vmem>>, vector<16xf32>,
      %mul3A_179 = arith.mulf %get3A_175, %get3A_178 : vector<16xf32>
      %get3A_180 = arith.index_cast %add3A_161 : i32 to index
      %get3A_181 = arith.constant 16 : index
      %get3A_182 = tpu.vector_load %arg13[%get3A_180, %get3A_181] {strides = array<i32>} : memref<512x32xf32, #tpu.memory_space<vmem>>, vector<16xf32>,
      %mul3A_183 = arith.mulf %mul3A_179, %get3A_182 : vector<16xf32>
      %add3A_184 = arith.addf %mul3A_172, %mul3A_183 : vector<16xf32>
      %reduce_sum3A_185 = arith.constant true
      %reduce_sum3A_186 = vector.broadcast %reduce_sum3A_185 : i1 to vector<16xi1>
      %reduce_sum3A_187 = tpu.scan <sum>, %add3A_184 masked %reduce_sum3A_186 : vector<16xf32>, vector<16xi1> -> vector<16xf32>
      %reduce_sum3A_188 = vector.extract %reduce_sum3A_187[15] : f32 from vector<16xf32>
      %eq3A_189 = arith.constant 4 : i32
      %eq3A_190 = vector.broadcast %eq3A_189 : i32 to vector<16xi32>
      %eq3A_191 = arith.cmpi eq, %iota3A, %eq3A_190 : vector<16xi32>
      %broadcast_in_dim3A_192 = vector.broadcast %reduce_sum3A_188 : f32 to vector<16xf32>
      %select_n3A_193 = arith.select %eq3A_191, %broadcast_in_dim3A_192, %select_n3A_159 : vector<16xi1>, vector<16xf32>
      %add3A_194 = arith.constant 5 : i32
      %add3A_195 = arith.addi %mul3A_26, %add3A_194 : i32
      %get3A_196 = arith.index_cast %add3A_195 : i32 to index
      %get3A_197 = arith.constant 0 : index
      %get3A_198 = tpu.vector_load %arg11[%get3A_196, %get3A_197] {strides = array<i32>} : memref<512x32xf32, #tpu.memory_space<vmem>>, vector<16xf32>,
      %get3A_199 = arith.index_cast %add3A_195 : i32 to index
      %get3A_200 = arith.constant 0 : index
      %get3A_201 = tpu.vector_load %arg12[%get3A_199, %get3A_200] {strides = array<i32>} : memref<512x32xf32, #tpu.memory_space<vmem>>, vector<16xf32>,
      %mul3A_202 = arith.mulf %get3A_198, %get3A_201 : vector<16xf32>
      %get3A_203 = arith.index_cast %add3A_195 : i32 to index
      %get3A_204 = arith.constant 0 : index
      %get3A_205 = tpu.vector_load %arg13[%get3A_203, %get3A_204] {strides = array<i32>} : memref<512x32xf32, #tpu.memory_space<vmem>>, vector<16xf32>,
      %mul3A_206 = arith.mulf %mul3A_202, %get3A_205 : vector<16xf32>
      %get3A_207 = arith.index_cast %add3A_195 : i32 to index
      %get3A_208 = arith.constant 16 : index
      %get3A_209 = tpu.vector_load %arg11[%get3A_207, %get3A_208] {strides = array<i32>} : memref<512x32xf32, #tpu.memory_space<vmem>>, vector<16xf32>,
      %get3A_210 = arith.index_cast %add3A_195 : i32 to index
      %get3A_211 = arith.constant 16 : index
      %get3A_212 = tpu.vector_load %arg12[%get3A_210, %get3A_211] {strides = array<i32>} : memref<512x32xf32, #tpu.memory_space<vmem>>, vector<16xf32>,
      %mul3A_213 = arith.mulf %get3A_209, %get3A_212 : vector<16xf32>
      %get3A_214 = arith.index_cast %add3A_195 : i32 to index
      %get3A_215 = arith.constant 16 : index
      %get3A_216 = tpu.vector_load %arg13[%get3A_214, %get3A_215] {strides = array<i32>} : memref<512x32xf32, #tpu.memory_space<vmem>>, vector<16xf32>,
      %mul3A_217 = arith.mulf %mul3A_213, %get3A_216 : vector<16xf32>
      %add3A_218 = arith.addf %mul3A_206, %mul3A_217 : vector<16xf32>
      %reduce_sum3A_219 = arith.constant true
      %reduce_sum3A_220 = vector.broadcast %reduce_sum3A_219 : i1 to vector<16xi1>
      %reduce_sum3A_221 = tpu.scan <sum>, %add3A_218 masked %reduce_sum3A_220 : vector<16xf32>, vector<16xi1> -> vector<16xf32>
      %reduce_sum3A_222 = vector.extract %reduce_sum3A_221[15] : f32 from vector<16xf32>
      %eq3A_223 = arith.constant 5 : i32
      %eq3A_224 = vector.broadcast %eq3A_223 : i32 to vector<16xi32>
      %eq3A_225 = arith.cmpi eq, %iota3A, %eq3A_224 : vector<16xi32>
      %broadcast_in_dim3A_226 = vector.broadcast %reduce_sum3A_222 : f32 to vector<16xf32>
      %select_n3A_227 = arith.select %eq3A_225, %broadcast_in_dim3A_226, %select_n3A_193 : vector<16xi1>, vector<16xf32>
      %add3A_228 = arith.constant 6 : i32
      %add3A_229 = arith.addi %mul3A_26, %add3A_228 : i32
      %get3A_230 = arith.index_cast %add3A_229 : i32 to index
      %get3A_231 = arith.constant 0 : index
      %get3A_232 = tpu.vector_load %arg11[%get3A_230, %get3A_231] {strides = array<i32>} : memref<512x32xf32, #tpu.memory_space<vmem>>, vector<16xf32>,
      %get3A_233 = arith.index_cast %add3A_229 : i32 to index
      %get3A_234 = arith.constant 0 : index
      %get3A_235 = tpu.vector_load %arg12[%get3A_233, %get3A_234] {strides = array<i32>} : memref<512x32xf32, #tpu.memory_space<vmem>>, vector<16xf32>,
      %mul3A_236 = arith.mulf %get3A_232, %get3A_235 : vector<16xf32>
      %get3A_237 = arith.index_cast %add3A_229 : i32 to index
      %get3A_238 = arith.constant 0 : index
      %get3A_239 = tpu.vector_load %arg13[%get3A_237, %get3A_238] {strides = array<i32>} : memref<512x32xf32, #tpu.memory_space<vmem>>, vector<16xf32>,
      %mul3A_240 = arith.mulf %mul3A_236, %get3A_239 : vector<16xf32>
      %get3A_241 = arith.index_cast %add3A_229 : i32 to index
      %get3A_242 = arith.constant 16 : index
      %get3A_243 = tpu.vector_load %arg11[%get3A_241, %get3A_242] {strides = array<i32>} : memref<512x32xf32, #tpu.memory_space<vmem>>, vector<16xf32>,
      %get3A_244 = arith.index_cast %add3A_229 : i32 to index
      %get3A_245 = arith.constant 16 : index
      %get3A_246 = tpu.vector_load %arg12[%get3A_244, %get3A_245] {strides = array<i32>} : memref<512x32xf32, #tpu.memory_space<vmem>>, vector<16xf32>,
      %mul3A_247 = arith.mulf %get3A_243, %get3A_246 : vector<16xf32>
      %get3A_248 = arith.index_cast %add3A_229 : i32 to index
      %get3A_249 = arith.constant 16 : index
      %get3A_250 = tpu.vector_load %arg13[%get3A_248, %get3A_249] {strides = array<i32>} : memref<512x32xf32, #tpu.memory_space<vmem>>, vector<16xf32>,
      %mul3A_251 = arith.mulf %mul3A_247, %get3A_250 : vector<16xf32>
      %add3A_252 = arith.addf %mul3A_240, %mul3A_251 : vector<16xf32>
      %reduce_sum3A_253 = arith.constant true
      %reduce_sum3A_254 = vector.broadcast %reduce_sum3A_253 : i1 to vector<16xi1>
      %reduce_sum3A_255 = tpu.scan <sum>, %add3A_252 masked %reduce_sum3A_254 : vector<16xf32>, vector<16xi1> -> vector<16xf32>
      %reduce_sum3A_256 = vector.extract %reduce_sum3A_255[15] : f32 from vector<16xf32>
      %eq3A_257 = arith.constant 6 : i32
      %eq3A_258 = vector.broadcast %eq3A_257 : i32 to vector<16xi32>
      %eq3A_259 = arith.cmpi eq, %iota3A, %eq3A_258 : vector<16xi32>
      %broadcast_in_dim3A_260 = vector.broadcast %reduce_sum3A_256 : f32 to vector<16xf32>
      %select_n3A_261 = arith.select %eq3A_259, %broadcast_in_dim3A_260, %select_n3A_227 : vector<16xi1>, vector<16xf32>
      %add3A_262 = arith.constant 7 : i32
      %add3A_263 = arith.addi %mul3A_26, %add3A_262 : i32
      %get3A_264 = arith.index_cast %add3A_263 : i32 to index
      %get3A_265 = arith.constant 0 : index
      %get3A_266 = tpu.vector_load %arg11[%get3A_264, %get3A_265] {strides = array<i32>} : memref<512x32xf32, #tpu.memory_space<vmem>>, vector<16xf32>,
      %get3A_267 = arith.index_cast %add3A_263 : i32 to index
      %get3A_268 = arith.constant 0 : index
      %get3A_269 = tpu.vector_load %arg12[%get3A_267, %get3A_268] {strides = array<i32>} : memref<512x32xf32, #tpu.memory_space<vmem>>, vector<16xf32>,
      %mul3A_270 = arith.mulf %get3A_266, %get3A_269 : vector<16xf32>
      %get3A_271 = arith.index_cast %add3A_263 : i32 to index
      %get3A_272 = arith.constant 0 : index
      %get3A_273 = tpu.vector_load %arg13[%get3A_271, %get3A_272] {strides = array<i32>} : memref<512x32xf32, #tpu.memory_space<vmem>>, vector<16xf32>,
      %mul3A_274 = arith.mulf %mul3A_270, %get3A_273 : vector<16xf32>
      %get3A_275 = arith.index_cast %add3A_263 : i32 to index
      %get3A_276 = arith.constant 16 : index
      %get3A_277 = tpu.vector_load %arg11[%get3A_275, %get3A_276] {strides = array<i32>} : memref<512x32xf32, #tpu.memory_space<vmem>>, vector<16xf32>,
      %get3A_278 = arith.index_cast %add3A_263 : i32 to index
      %get3A_279 = arith.constant 16 : index
      %get3A_280 = tpu.vector_load %arg12[%get3A_278, %get3A_279] {strides = array<i32>} : memref<512x32xf32, #tpu.memory_space<vmem>>, vector<16xf32>,
      %mul3A_281 = arith.mulf %get3A_277, %get3A_280 : vector<16xf32>
      %get3A_282 = arith.index_cast %add3A_263 : i32 to index
      %get3A_283 = arith.constant 16 : index
      %get3A_284 = tpu.vector_load %arg13[%get3A_282, %get3A_283] {strides = array<i32>} : memref<512x32xf32, #tpu.memory_space<vmem>>, vector<16xf32>,
      %mul3A_285 = arith.mulf %mul3A_281, %get3A_284 : vector<16xf32>
      %add3A_286 = arith.addf %mul3A_274, %mul3A_285 : vector<16xf32>
      %reduce_sum3A_287 = arith.constant true
      %reduce_sum3A_288 = vector.broadcast %reduce_sum3A_287 : i1 to vector<16xi1>
      %reduce_sum3A_289 = tpu.scan <sum>, %add3A_286 masked %reduce_sum3A_288 : vector<16xf32>, vector<16xi1> -> vector<16xf32>
      %reduce_sum3A_290 = vector.extract %reduce_sum3A_289[15] : f32 from vector<16xf32>
      %eq3A_291 = arith.constant 7 : i32
      %eq3A_292 = vector.broadcast %eq3A_291 : i32 to vector<16xi32>
      %eq3A_293 = arith.cmpi eq, %iota3A, %eq3A_292 : vector<16xi32>
      %broadcast_in_dim3A_294 = vector.broadcast %reduce_sum3A_290 : f32 to vector<16xf32>
      %select_n3A_295 = arith.select %eq3A_293, %broadcast_in_dim3A_294, %select_n3A_261 : vector<16xi1>, vector<16xf32>
      %add3A_296 = arith.constant 8 : i32
      %add3A_297 = arith.addi %mul3A_26, %add3A_296 : i32
      %get3A_298 = arith.index_cast %add3A_297 : i32 to index
      %get3A_299 = arith.constant 0 : index
      %get3A_300 = tpu.vector_load %arg11[%get3A_298, %get3A_299] {strides = array<i32>} : memref<512x32xf32, #tpu.memory_space<vmem>>, vector<16xf32>,
      %get3A_301 = arith.index_cast %add3A_297 : i32 to index
      %get3A_302 = arith.constant 0 : index
      %get3A_303 = tpu.vector_load %arg12[%get3A_301, %get3A_302] {strides = array<i32>} : memref<512x32xf32, #tpu.memory_space<vmem>>, vector<16xf32>,
      %mul3A_304 = arith.mulf %get3A_300, %get3A_303 : vector<16xf32>
      %get3A_305 = arith.index_cast %add3A_297 : i32 to index
      %get3A_306 = arith.constant 0 : index
      %get3A_307 = tpu.vector_load %arg13[%get3A_305, %get3A_306] {strides = array<i32>} : memref<512x32xf32, #tpu.memory_space<vmem>>, vector<16xf32>,
      %mul3A_308 = arith.mulf %mul3A_304, %get3A_307 : vector<16xf32>
      %get3A_309 = arith.index_cast %add3A_297 : i32 to index
      %get3A_310 = arith.constant 16 : index
      %get3A_311 = tpu.vector_load %arg11[%get3A_309, %get3A_310] {strides = array<i32>} : memref<512x32xf32, #tpu.memory_space<vmem>>, vector<16xf32>,
      %get3A_312 = arith.index_cast %add3A_297 : i32 to index
      %get3A_313 = arith.constant 16 : index
      %get3A_314 = tpu.vector_load %arg12[%get3A_312, %get3A_313] {strides = array<i32>} : memref<512x32xf32, #tpu.memory_space<vmem>>, vector<16xf32>,
      %mul3A_315 = arith.mulf %get3A_311, %get3A_314 : vector<16xf32>
      %get3A_316 = arith.index_cast %add3A_297 : i32 to index
      %get3A_317 = arith.constant 16 : index
      %get3A_318 = tpu.vector_load %arg13[%get3A_316, %get3A_317] {strides = array<i32>} : memref<512x32xf32, #tpu.memory_space<vmem>>, vector<16xf32>,
      %mul3A_319 = arith.mulf %mul3A_315, %get3A_318 : vector<16xf32>
      %add3A_320 = arith.addf %mul3A_308, %mul3A_319 : vector<16xf32>
      %reduce_sum3A_321 = arith.constant true
      %reduce_sum3A_322 = vector.broadcast %reduce_sum3A_321 : i1 to vector<16xi1>
      %reduce_sum3A_323 = tpu.scan <sum>, %add3A_320 masked %reduce_sum3A_322 : vector<16xf32>, vector<16xi1> -> vector<16xf32>
      %reduce_sum3A_324 = vector.extract %reduce_sum3A_323[15] : f32 from vector<16xf32>
      %eq3A_325 = arith.constant 8 : i32
      %eq3A_326 = vector.broadcast %eq3A_325 : i32 to vector<16xi32>
      %eq3A_327 = arith.cmpi eq, %iota3A, %eq3A_326 : vector<16xi32>
      %broadcast_in_dim3A_328 = vector.broadcast %reduce_sum3A_324 : f32 to vector<16xf32>
      %select_n3A_329 = arith.select %eq3A_327, %broadcast_in_dim3A_328, %select_n3A_295 : vector<16xi1>, vector<16xf32>
      %add3A_330 = arith.constant 9 : i32
      %add3A_331 = arith.addi %mul3A_26, %add3A_330 : i32
      %get3A_332 = arith.index_cast %add3A_331 : i32 to index
      %get3A_333 = arith.constant 0 : index
      %get3A_334 = tpu.vector_load %arg11[%get3A_332, %get3A_333] {strides = array<i32>} : memref<512x32xf32, #tpu.memory_space<vmem>>, vector<16xf32>,
      %get3A_335 = arith.index_cast %add3A_331 : i32 to index
      %get3A_336 = arith.constant 0 : index
      %get3A_337 = tpu.vector_load %arg12[%get3A_335, %get3A_336] {strides = array<i32>} : memref<512x32xf32, #tpu.memory_space<vmem>>, vector<16xf32>,
      %mul3A_338 = arith.mulf %get3A_334, %get3A_337 : vector<16xf32>
      %get3A_339 = arith.index_cast %add3A_331 : i32 to index
      %get3A_340 = arith.constant 0 : index
      %get3A_341 = tpu.vector_load %arg13[%get3A_339, %get3A_340] {strides = array<i32>} : memref<512x32xf32, #tpu.memory_space<vmem>>, vector<16xf32>,
      %mul3A_342 = arith.mulf %mul3A_338, %get3A_341 : vector<16xf32>
      %get3A_343 = arith.index_cast %add3A_331 : i32 to index
      %get3A_344 = arith.constant 16 : index
      %get3A_345 = tpu.vector_load %arg11[%get3A_343, %get3A_344] {strides = array<i32>} : memref<512x32xf32, #tpu.memory_space<vmem>>, vector<16xf32>,
      %get3A_346 = arith.index_cast %add3A_331 : i32 to index
      %get3A_347 = arith.constant 16 : index
      %get3A_348 = tpu.vector_load %arg12[%get3A_346, %get3A_347] {strides = array<i32>} : memref<512x32xf32, #tpu.memory_space<vmem>>, vector<16xf32>,
      %mul3A_349 = arith.mulf %get3A_345, %get3A_348 : vector<16xf32>
      %get3A_350 = arith.index_cast %add3A_331 : i32 to index
      %get3A_351 = arith.constant 16 : index
      %get3A_352 = tpu.vector_load %arg13[%get3A_350, %get3A_351] {strides = array<i32>} : memref<512x32xf32, #tpu.memory_space<vmem>>, vector<16xf32>,
      %mul3A_353 = arith.mulf %mul3A_349, %get3A_352 : vector<16xf32>
      %add3A_354 = arith.addf %mul3A_342, %mul3A_353 : vector<16xf32>
      %reduce_sum3A_355 = arith.constant true
      %reduce_sum3A_356 = vector.broadcast %reduce_sum3A_355 : i1 to vector<16xi1>
      %reduce_sum3A_357 = tpu.scan <sum>, %add3A_354 masked %reduce_sum3A_356 : vector<16xf32>, vector<16xi1> -> vector<16xf32>
      %reduce_sum3A_358 = vector.extract %reduce_sum3A_357[15] : f32 from vector<16xf32>
      %eq3A_359 = arith.constant 9 : i32
      %eq3A_360 = vector.broadcast %eq3A_359 : i32 to vector<16xi32>
      %eq3A_361 = arith.cmpi eq, %iota3A, %eq3A_360 : vector<16xi32>
      %broadcast_in_dim3A_362 = vector.broadcast %reduce_sum3A_358 : f32 to vector<16xf32>
      %select_n3A_363 = arith.select %eq3A_361, %broadcast_in_dim3A_362, %select_n3A_329 : vector<16xi1>, vector<16xf32>
      %add3A_364 = arith.constant 10 : i32
      %add3A_365 = arith.addi %mul3A_26, %add3A_364 : i32
      %get3A_366 = arith.index_cast %add3A_365 : i32 to index
      %get3A_367 = arith.constant 0 : index
      %get3A_368 = tpu.vector_load %arg11[%get3A_366, %get3A_367] {strides = array<i32>} : memref<512x32xf32, #tpu.memory_space<vmem>>, vector<16xf32>,
      %get3A_369 = arith.index_cast %add3A_365 : i32 to index
      %get3A_370 = arith.constant 0 : index
      %get3A_371 = tpu.vector_load %arg12[%get3A_369, %get3A_370] {strides = array<i32>} : memref<512x32xf32, #tpu.memory_space<vmem>>, vector<16xf32>,
      %mul3A_372 = arith.mulf %get3A_368, %get3A_371 : vector<16xf32>
      %get3A_373 = arith.index_cast %add3A_365 : i32 to index
      %get3A_374 = arith.constant 0 : index
      %get3A_375 = tpu.vector_load %arg13[%get3A_373, %get3A_374] {strides = array<i32>} : memref<512x32xf32, #tpu.memory_space<vmem>>, vector<16xf32>,
      %mul3A_376 = arith.mulf %mul3A_372, %get3A_375 : vector<16xf32>
      %get3A_377 = arith.index_cast %add3A_365 : i32 to index
      %get3A_378 = arith.constant 16 : index
      %get3A_379 = tpu.vector_load %arg11[%get3A_377, %get3A_378] {strides = array<i32>} : memref<512x32xf32, #tpu.memory_space<vmem>>, vector<16xf32>,
      %get3A_380 = arith.index_cast %add3A_365 : i32 to index
      %get3A_381 = arith.constant 16 : index
      %get3A_382 = tpu.vector_load %arg12[%get3A_380, %get3A_381] {strides = array<i32>} : memref<512x32xf32, #tpu.memory_space<vmem>>, vector<16xf32>,
      %mul3A_383 = arith.mulf %get3A_379, %get3A_382 : vector<16xf32>
      %get3A_384 = arith.index_cast %add3A_365 : i32 to index
      %get3A_385 = arith.constant 16 : index
      %get3A_386 = tpu.vector_load %arg13[%get3A_384, %get3A_385] {strides = array<i32>} : memref<512x32xf32, #tpu.memory_space<vmem>>, vector<16xf32>,
      %mul3A_387 = arith.mulf %mul3A_383, %get3A_386 : vector<16xf32>
      %add3A_388 = arith.addf %mul3A_376, %mul3A_387 : vector<16xf32>
      %reduce_sum3A_389 = arith.constant true
      %reduce_sum3A_390 = vector.broadcast %reduce_sum3A_389 : i1 to vector<16xi1>
      %reduce_sum3A_391 = tpu.scan <sum>, %add3A_388 masked %reduce_sum3A_390 : vector<16xf32>, vector<16xi1> -> vector<16xf32>
      %reduce_sum3A_392 = vector.extract %reduce_sum3A_391[15] : f32 from vector<16xf32>
      %eq3A_393 = arith.constant 10 : i32
      %eq3A_394 = vector.broadcast %eq3A_393 : i32 to vector<16xi32>
      %eq3A_395 = arith.cmpi eq, %iota3A, %eq3A_394 : vector<16xi32>
      %broadcast_in_dim3A_396 = vector.broadcast %reduce_sum3A_392 : f32 to vector<16xf32>
      %select_n3A_397 = arith.select %eq3A_395, %broadcast_in_dim3A_396, %select_n3A_363 : vector<16xi1>, vector<16xf32>
      %add3A_398 = arith.constant 11 : i32
      %add3A_399 = arith.addi %mul3A_26, %add3A_398 : i32
      %get3A_400 = arith.index_cast %add3A_399 : i32 to index
      %get3A_401 = arith.constant 0 : index
      %get3A_402 = tpu.vector_load %arg11[%get3A_400, %get3A_401] {strides = array<i32>} : memref<512x32xf32, #tpu.memory_space<vmem>>, vector<16xf32>,
      %get3A_403 = arith.index_cast %add3A_399 : i32 to index
      %get3A_404 = arith.constant 0 : index
      %get3A_405 = tpu.vector_load %arg12[%get3A_403, %get3A_404] {strides = array<i32>} : memref<512x32xf32, #tpu.memory_space<vmem>>, vector<16xf32>,
      %mul3A_406 = arith.mulf %get3A_402, %get3A_405 : vector<16xf32>
      %get3A_407 = arith.index_cast %add3A_399 : i32 to index
      %get3A_408 = arith.constant 0 : index
      %get3A_409 = tpu.vector_load %arg13[%get3A_407, %get3A_408] {strides = array<i32>} : memref<512x32xf32, #tpu.memory_space<vmem>>, vector<16xf32>,
      %mul3A_410 = arith.mulf %mul3A_406, %get3A_409 : vector<16xf32>
      %get3A_411 = arith.index_cast %add3A_399 : i32 to index
      %get3A_412 = arith.constant 16 : index
      %get3A_413 = tpu.vector_load %arg11[%get3A_411, %get3A_412] {strides = array<i32>} : memref<512x32xf32, #tpu.memory_space<vmem>>, vector<16xf32>,
      %get3A_414 = arith.index_cast %add3A_399 : i32 to index
      %get3A_415 = arith.constant 16 : index
      %get3A_416 = tpu.vector_load %arg12[%get3A_414, %get3A_415] {strides = array<i32>} : memref<512x32xf32, #tpu.memory_space<vmem>>, vector<16xf32>,
      %mul3A_417 = arith.mulf %get3A_413, %get3A_416 : vector<16xf32>
      %get3A_418 = arith.index_cast %add3A_399 : i32 to index
      %get3A_419 = arith.constant 16 : index
      %get3A_420 = tpu.vector_load %arg13[%get3A_418, %get3A_419] {strides = array<i32>} : memref<512x32xf32, #tpu.memory_space<vmem>>, vector<16xf32>,
      %mul3A_421 = arith.mulf %mul3A_417, %get3A_420 : vector<16xf32>
      %add3A_422 = arith.addf %mul3A_410, %mul3A_421 : vector<16xf32>
      %reduce_sum3A_423 = arith.constant true
      %reduce_sum3A_424 = vector.broadcast %reduce_sum3A_423 : i1 to vector<16xi1>
      %reduce_sum3A_425 = tpu.scan <sum>, %add3A_422 masked %reduce_sum3A_424 : vector<16xf32>, vector<16xi1> -> vector<16xf32>
      %reduce_sum3A_426 = vector.extract %reduce_sum3A_425[15] : f32 from vector<16xf32>
      %eq3A_427 = arith.constant 11 : i32
      %eq3A_428 = vector.broadcast %eq3A_427 : i32 to vector<16xi32>
      %eq3A_429 = arith.cmpi eq, %iota3A, %eq3A_428 : vector<16xi32>
      %broadcast_in_dim3A_430 = vector.broadcast %reduce_sum3A_426 : f32 to vector<16xf32>
      %select_n3A_431 = arith.select %eq3A_429, %broadcast_in_dim3A_430, %select_n3A_397 : vector<16xi1>, vector<16xf32>
      %add3A_432 = arith.constant 12 : i32
      %add3A_433 = arith.addi %mul3A_26, %add3A_432 : i32
      %get3A_434 = arith.index_cast %add3A_433 : i32 to index
      %get3A_435 = arith.constant 0 : index
      %get3A_436 = tpu.vector_load %arg11[%get3A_434, %get3A_435] {strides = array<i32>} : memref<512x32xf32, #tpu.memory_space<vmem>>, vector<16xf32>,
      %get3A_437 = arith.index_cast %add3A_433 : i32 to index
      %get3A_438 = arith.constant 0 : index
      %get3A_439 = tpu.vector_load %arg12[%get3A_437, %get3A_438] {strides = array<i32>} : memref<512x32xf32, #tpu.memory_space<vmem>>, vector<16xf32>,
      %mul3A_440 = arith.mulf %get3A_436, %get3A_439 : vector<16xf32>
      %get3A_441 = arith.index_cast %add3A_433 : i32 to index
      %get3A_442 = arith.constant 0 : index
      %get3A_443 = tpu.vector_load %arg13[%get3A_441, %get3A_442] {strides = array<i32>} : memref<512x32xf32, #tpu.memory_space<vmem>>, vector<16xf32>,
      %mul3A_444 = arith.mulf %mul3A_440, %get3A_443 : vector<16xf32>
      %get3A_445 = arith.index_cast %add3A_433 : i32 to index
      %get3A_446 = arith.constant 16 : index
      %get3A_447 = tpu.vector_load %arg11[%get3A_445, %get3A_446] {strides = array<i32>} : memref<512x32xf32, #tpu.memory_space<vmem>>, vector<16xf32>,
      %get3A_448 = arith.index_cast %add3A_433 : i32 to index
      %get3A_449 = arith.constant 16 : index
      %get3A_450 = tpu.vector_load %arg12[%get3A_448, %get3A_449] {strides = array<i32>} : memref<512x32xf32, #tpu.memory_space<vmem>>, vector<16xf32>,
      %mul3A_451 = arith.mulf %get3A_447, %get3A_450 : vector<16xf32>
      %get3A_452 = arith.index_cast %add3A_433 : i32 to index
      %get3A_453 = arith.constant 16 : index
      %get3A_454 = tpu.vector_load %arg13[%get3A_452, %get3A_453] {strides = array<i32>} : memref<512x32xf32, #tpu.memory_space<vmem>>, vector<16xf32>,
      %mul3A_455 = arith.mulf %mul3A_451, %get3A_454 : vector<16xf32>
      %add3A_456 = arith.addf %mul3A_444, %mul3A_455 : vector<16xf32>
      %reduce_sum3A_457 = arith.constant true
      %reduce_sum3A_458 = vector.broadcast %reduce_sum3A_457 : i1 to vector<16xi1>
      %reduce_sum3A_459 = tpu.scan <sum>, %add3A_456 masked %reduce_sum3A_458 : vector<16xf32>, vector<16xi1> -> vector<16xf32>
      %reduce_sum3A_460 = vector.extract %reduce_sum3A_459[15] : f32 from vector<16xf32>
      %eq3A_461 = arith.constant 12 : i32
      %eq3A_462 = vector.broadcast %eq3A_461 : i32 to vector<16xi32>
      %eq3A_463 = arith.cmpi eq, %iota3A, %eq3A_462 : vector<16xi32>
      %broadcast_in_dim3A_464 = vector.broadcast %reduce_sum3A_460 : f32 to vector<16xf32>
      %select_n3A_465 = arith.select %eq3A_463, %broadcast_in_dim3A_464, %select_n3A_431 : vector<16xi1>, vector<16xf32>
      %add3A_466 = arith.constant 13 : i32
      %add3A_467 = arith.addi %mul3A_26, %add3A_466 : i32
      %get3A_468 = arith.index_cast %add3A_467 : i32 to index
      %get3A_469 = arith.constant 0 : index
      %get3A_470 = tpu.vector_load %arg11[%get3A_468, %get3A_469] {strides = array<i32>} : memref<512x32xf32, #tpu.memory_space<vmem>>, vector<16xf32>,
      %get3A_471 = arith.index_cast %add3A_467 : i32 to index
      %get3A_472 = arith.constant 0 : index
      %get3A_473 = tpu.vector_load %arg12[%get3A_471, %get3A_472] {strides = array<i32>} : memref<512x32xf32, #tpu.memory_space<vmem>>, vector<16xf32>,
      %mul3A_474 = arith.mulf %get3A_470, %get3A_473 : vector<16xf32>
      %get3A_475 = arith.index_cast %add3A_467 : i32 to index
      %get3A_476 = arith.constant 0 : index
      %get3A_477 = tpu.vector_load %arg13[%get3A_475, %get3A_476] {strides = array<i32>} : memref<512x32xf32, #tpu.memory_space<vmem>>, vector<16xf32>,
      %mul3A_478 = arith.mulf %mul3A_474, %get3A_477 : vector<16xf32>
      %get3A_479 = arith.index_cast %add3A_467 : i32 to index
      %get3A_480 = arith.constant 16 : index
      %get3A_481 = tpu.vector_load %arg11[%get3A_479, %get3A_480] {strides = array<i32>} : memref<512x32xf32, #tpu.memory_space<vmem>>, vector<16xf32>,
      %get3A_482 = arith.index_cast %add3A_467 : i32 to index
      %get3A_483 = arith.constant 16 : index
      %get3A_484 = tpu.vector_load %arg12[%get3A_482, %get3A_483] {strides = array<i32>} : memref<512x32xf32, #tpu.memory_space<vmem>>, vector<16xf32>,
      %mul3A_485 = arith.mulf %get3A_481, %get3A_484 : vector<16xf32>
      %get3A_486 = arith.index_cast %add3A_467 : i32 to index
      %get3A_487 = arith.constant 16 : index
      %get3A_488 = tpu.vector_load %arg13[%get3A_486, %get3A_487] {strides = array<i32>} : memref<512x32xf32, #tpu.memory_space<vmem>>, vector<16xf32>,
      %mul3A_489 = arith.mulf %mul3A_485, %get3A_488 : vector<16xf32>
      %add3A_490 = arith.addf %mul3A_478, %mul3A_489 : vector<16xf32>
      %reduce_sum3A_491 = arith.constant true
      %reduce_sum3A_492 = vector.broadcast %reduce_sum3A_491 : i1 to vector<16xi1>
      %reduce_sum3A_493 = tpu.scan <sum>, %add3A_490 masked %reduce_sum3A_492 : vector<16xf32>, vector<16xi1> -> vector<16xf32>
      %reduce_sum3A_494 = vector.extract %reduce_sum3A_493[15] : f32 from vector<16xf32>
      %eq3A_495 = arith.constant 13 : i32
      %eq3A_496 = vector.broadcast %eq3A_495 : i32 to vector<16xi32>
      %eq3A_497 = arith.cmpi eq, %iota3A, %eq3A_496 : vector<16xi32>
      %broadcast_in_dim3A_498 = vector.broadcast %reduce_sum3A_494 : f32 to vector<16xf32>
      %select_n3A_499 = arith.select %eq3A_497, %broadcast_in_dim3A_498, %select_n3A_465 : vector<16xi1>, vector<16xf32>
      %add3A_500 = arith.constant 14 : i32
      %add3A_501 = arith.addi %mul3A_26, %add3A_500 : i32
      %get3A_502 = arith.index_cast %add3A_501 : i32 to index
      %get3A_503 = arith.constant 0 : index
      %get3A_504 = tpu.vector_load %arg11[%get3A_502, %get3A_503] {strides = array<i32>} : memref<512x32xf32, #tpu.memory_space<vmem>>, vector<16xf32>,
      %get3A_505 = arith.index_cast %add3A_501 : i32 to index
      %get3A_506 = arith.constant 0 : index
      %get3A_507 = tpu.vector_load %arg12[%get3A_505, %get3A_506] {strides = array<i32>} : memref<512x32xf32, #tpu.memory_space<vmem>>, vector<16xf32>,
      %mul3A_508 = arith.mulf %get3A_504, %get3A_507 : vector<16xf32>
      %get3A_509 = arith.index_cast %add3A_501 : i32 to index
      %get3A_510 = arith.constant 0 : index
      %get3A_511 = tpu.vector_load %arg13[%get3A_509, %get3A_510] {strides = array<i32>} : memref<512x32xf32, #tpu.memory_space<vmem>>, vector<16xf32>,
      %mul3A_512 = arith.mulf %mul3A_508, %get3A_511 : vector<16xf32>
      %get3A_513 = arith.index_cast %add3A_501 : i32 to index
      %get3A_514 = arith.constant 16 : index
      %get3A_515 = tpu.vector_load %arg11[%get3A_513, %get3A_514] {strides = array<i32>} : memref<512x32xf32, #tpu.memory_space<vmem>>, vector<16xf32>,
      %get3A_516 = arith.index_cast %add3A_501 : i32 to index
      %get3A_517 = arith.constant 16 : index
      %get3A_518 = tpu.vector_load %arg12[%get3A_516, %get3A_517] {strides = array<i32>} : memref<512x32xf32, #tpu.memory_space<vmem>>, vector<16xf32>,
      %mul3A_519 = arith.mulf %get3A_515, %get3A_518 : vector<16xf32>
      %get3A_520 = arith.index_cast %add3A_501 : i32 to index
      %get3A_521 = arith.constant 16 : index
      %get3A_522 = tpu.vector_load %arg13[%get3A_520, %get3A_521] {strides = array<i32>} : memref<512x32xf32, #tpu.memory_space<vmem>>, vector<16xf32>,
      %mul3A_523 = arith.mulf %mul3A_519, %get3A_522 : vector<16xf32>
      %add3A_524 = arith.addf %mul3A_512, %mul3A_523 : vector<16xf32>
      %reduce_sum3A_525 = arith.constant true
      %reduce_sum3A_526 = vector.broadcast %reduce_sum3A_525 : i1 to vector<16xi1>
      %reduce_sum3A_527 = tpu.scan <sum>, %add3A_524 masked %reduce_sum3A_526 : vector<16xf32>, vector<16xi1> -> vector<16xf32>
      %reduce_sum3A_528 = vector.extract %reduce_sum3A_527[15] : f32 from vector<16xf32>
      %eq3A_529 = arith.constant 14 : i32
      %eq3A_530 = vector.broadcast %eq3A_529 : i32 to vector<16xi32>
      %eq3A_531 = arith.cmpi eq, %iota3A, %eq3A_530 : vector<16xi32>
      %broadcast_in_dim3A_532 = vector.broadcast %reduce_sum3A_528 : f32 to vector<16xf32>
      %select_n3A_533 = arith.select %eq3A_531, %broadcast_in_dim3A_532, %select_n3A_499 : vector<16xi1>, vector<16xf32>
      %add3A_534 = arith.constant 15 : i32
      %add3A_535 = arith.addi %mul3A_26, %add3A_534 : i32
      %get3A_536 = arith.index_cast %add3A_535 : i32 to index
      %get3A_537 = arith.constant 0 : index
      %get3A_538 = tpu.vector_load %arg11[%get3A_536, %get3A_537] {strides = array<i32>} : memref<512x32xf32, #tpu.memory_space<vmem>>, vector<16xf32>,
      %get3A_539 = arith.index_cast %add3A_535 : i32 to index
      %get3A_540 = arith.constant 0 : index
      %get3A_541 = tpu.vector_load %arg12[%get3A_539, %get3A_540] {strides = array<i32>} : memref<512x32xf32, #tpu.memory_space<vmem>>, vector<16xf32>,
      %mul3A_542 = arith.mulf %get3A_538, %get3A_541 : vector<16xf32>
      %get3A_543 = arith.index_cast %add3A_535 : i32 to index
      %get3A_544 = arith.constant 0 : index
      %get3A_545 = tpu.vector_load %arg13[%get3A_543, %get3A_544] {strides = array<i32>} : memref<512x32xf32, #tpu.memory_space<vmem>>, vector<16xf32>,
      %mul3A_546 = arith.mulf %mul3A_542, %get3A_545 : vector<16xf32>
      %get3A_547 = arith.index_cast %add3A_535 : i32 to index
      %get3A_548 = arith.constant 16 : index
      %get3A_549 = tpu.vector_load %arg11[%get3A_547, %get3A_548] {strides = array<i32>} : memref<512x32xf32, #tpu.memory_space<vmem>>, vector<16xf32>,
      %get3A_550 = arith.index_cast %add3A_535 : i32 to index
      %get3A_551 = arith.constant 16 : index
      %get3A_552 = tpu.vector_load %arg12[%get3A_550, %get3A_551] {strides = array<i32>} : memref<512x32xf32, #tpu.memory_space<vmem>>, vector<16xf32>,
      %mul3A_553 = arith.mulf %get3A_549, %get3A_552 : vector<16xf32>
      %get3A_554 = arith.index_cast %add3A_535 : i32 to index
      %get3A_555 = arith.constant 16 : index
      %get3A_556 = tpu.vector_load %arg13[%get3A_554, %get3A_555] {strides = array<i32>} : memref<512x32xf32, #tpu.memory_space<vmem>>, vector<16xf32>,
      %mul3A_557 = arith.mulf %mul3A_553, %get3A_556 : vector<16xf32>
      %add3A_558 = arith.addf %mul3A_546, %mul3A_557 : vector<16xf32>
      %reduce_sum3A_559 = arith.constant true
      %reduce_sum3A_560 = vector.broadcast %reduce_sum3A_559 : i1 to vector<16xi1>
      %reduce_sum3A_561 = tpu.scan <sum>, %add3A_558 masked %reduce_sum3A_560 : vector<16xf32>, vector<16xi1> -> vector<16xf32>
      %reduce_sum3A_562 = vector.extract %reduce_sum3A_561[15] : f32 from vector<16xf32>
      %eq3A_563 = arith.constant 15 : i32
      %eq3A_564 = vector.broadcast %eq3A_563 : i32 to vector<16xi32>
      %eq3A_565 = arith.cmpi eq, %iota3A, %eq3A_564 : vector<16xi32>
      %broadcast_in_dim3A_566 = vector.broadcast %reduce_sum3A_562 : f32 to vector<16xf32>
      %select_n3A_567 = arith.select %eq3A_565, %broadcast_in_dim3A_566, %select_n3A_533 : vector<16xi1>, vector<16xf32>
      %swap3A = arith.index_cast %mul3A_26 : i32 to index
      %swap3A_568 = tpu.vector_load %arg14[%swap3A] {strides = array<i32>} : memref<512xf32, #tpu.memory_space<vmem>>, vector<16xf32>,
      tpu.vector_store %arg14[%swap3A], %select_n3A_567 {strides = array<i32>} : memref<512xf32, #tpu.memory_space<vmem>>, vector<16xf32>,
    }
    %scan3A_23 = arith.constant 32 : i32
    "tpu.region"() ({
      %run_scoped3A = tpu.sem_alloc : memref<!tpu.dma_semaphore, #tpu.memory_space<semaphore_mem>>
      %dma_start3A_24 = tpu.memref_slice %arg7[%mul3A_2] : memref<16384xf32, #tpu.memory_space<hbm>> -> memref<512xf32, #tpu.memory_space<hbm>>
      %dma_start3A_25 = tpu.memref_slice %arg7[%mul3A_2] : memref<16384xf32, #tpu.memory_space<hbm>> -> memref<512xf32, #tpu.memory_space<hbm>>
      tpu.enqueue_dma source(%arg14 : memref<512xf32, #tpu.memory_space<vmem>>) target(%dma_start3A_25 : memref<512xf32, #tpu.memory_space<hbm>>) target_semaphore(%run_scoped3A : memref<!tpu.dma_semaphore, #tpu.memory_space<semaphore_mem>>)
      %dma_wait3A_26 = tpu.memref_slice %arg7[%mul3A_2] : memref<16384xf32, #tpu.memory_space<hbm>> -> memref<512xf32, #tpu.memory_space<hbm>>
      %dma_wait3A_27 = tpu.memref_slice %arg7[%mul3A_2] : memref<16384xf32, #tpu.memory_space<hbm>> -> memref<512xf32, #tpu.memory_space<hbm>>
      tpu.wait_dma2 semaphore(%run_scoped3A : memref<!tpu.dma_semaphore, #tpu.memory_space<semaphore_mem>>) src(%arg14 : memref<512xf32, #tpu.memory_space<vmem>>) dst(%dma_wait3A_27 : memref<512xf32, #tpu.memory_space<hbm>>)
      tpu.yield
    }) : () -> ()
    return
  }
}

module attributes {stable_mosaic.version = 14 : i64} {
  func.func @_tc_norm_body(%arg0: memref<2498x128xf32, #tpu.memory_space<vmem>>, %arg1: memref<1x32xf32, #tpu.memory_space<vmem>>, %arg2: memref<1x32xf32, #tpu.memory_space<vmem>>, %arg3: memref<319744xf32, #tpu.memory_space<vmem>>) attributes {dimension_semantics = [], scalar_prefetch = 0 : i64, scratch_operands = 0 : i64, tpu.core_type = #tpu.core_type<tc>} {
    %get3A = arith.constant 0 : index
    %get3A_0 = arith.constant 0 : index
    %get3A_1 = vector.load %arg0[%get3A, %get3A_0] : memref<2498x128xf32, #tpu.memory_space<vmem>>, vector<2498x128xf32>
    %iota3A = tpu.iota {dimensions = array<i32: 0>} : vector<128x4xi32>
    %iota3A_2 = tpu.iota {dimensions = array<i32: 1>} : vector<128x4xi32>
    %jit3A = arith.constant 32 : i32
    %div3A = vector.broadcast %jit3A : i32 to vector<128x4xi32>
    %div3A_3 = arith.divsi %iota3A, %div3A : vector<128x4xi32>
    %sign3A = arith.constant 0 : i32
    %sign3A_4 = vector.broadcast %sign3A : i32 to vector<128x4xi32>
    %sign3A_5 = arith.cmpi sgt, %iota3A, %sign3A_4 : vector<128x4xi32>
    %sign3A_6 = arith.extui %sign3A_5 : vector<128x4xi1> to vector<128x4xi32>
    %sign3A_7 = arith.constant 0 : i32
    %sign3A_8 = vector.broadcast %sign3A_7 : i32 to vector<128x4xi32>
    %sign3A_9 = arith.cmpi slt, %iota3A, %sign3A_8 : vector<128x4xi32>
    %sign3A_10 = arith.extui %sign3A_9 : vector<128x4xi1> to vector<128x4xi32>
    %sign3A_11 = arith.subi %sign3A_6, %sign3A_10 : vector<128x4xi32>
    %sign3A_12 = arith.constant 0 : i32
    %sign3A_13 = arith.cmpi sgt, %jit3A, %sign3A_12 : i32
    %sign3A_14 = arith.extui %sign3A_13 : i1 to i32
    %sign3A_15 = arith.constant 0 : i32
    %sign3A_16 = arith.cmpi slt, %jit3A, %sign3A_15 : i32
    %sign3A_17 = arith.extui %sign3A_16 : i1 to i32
    %sign3A_18 = arith.subi %sign3A_14, %sign3A_17 : i32
    %ne3A = vector.broadcast %sign3A_18 : i32 to vector<128x4xi32>
    %ne3A_19 = arith.cmpi ne, %sign3A_11, %ne3A : vector<128x4xi32>
    %rem3A = vector.broadcast %jit3A : i32 to vector<128x4xi32>
    %rem3A_20 = arith.remsi %iota3A, %rem3A : vector<128x4xi32>
    %ne3A_21 = arith.constant 0 : i32
    %ne3A_22 = vector.broadcast %ne3A_21 : i32 to vector<128x4xi32>
    %ne3A_23 = arith.cmpi ne, %rem3A_20, %ne3A_22 : vector<128x4xi32>
    %and3A = arith.andi %ne3A_19, %ne3A_23 : vector<128x4xi1>
    %sub3A = arith.constant 1 : i32
    %sub3A_24 = vector.broadcast %sub3A : i32 to vector<128x4xi32>
    %sub3A_25 = arith.subi %div3A_3, %sub3A_24 : vector<128x4xi32>
    %select_n3A = arith.select %and3A, %sub3A_25, %div3A_3 : vector<128x4xi1>, vector<128x4xi32>
    %eq3A = arith.cmpi eq, %select_n3A, %iota3A_2 : vector<128x4xi32>
    %convert_element_type3A = arith.extui %eq3A : vector<128x4xi1> to vector<128x4xi32>
    %convert_element_type3A_26 = arith.sitofp %convert_element_type3A : vector<128x4xi32> to vector<128x4xf32>
    %iota3A_27 = tpu.iota {dimensions = array<i32: 0>} : vector<128x32xi32>
    %iota3A_28 = tpu.iota {dimensions = array<i32: 1>} : vector<128x32xi32>
    %jit3A_29 = arith.constant 32 : i32
    %eq3A_30 = arith.constant 0 : i32
    %eq3A_31 = arith.cmpi eq, %jit3A_29, %eq3A_30 : i32
    %jit3A_32 = arith.constant 1 : i32
    %select_n3A_33 = arith.select %eq3A_31, %jit3A_32, %jit3A_29 : i32
    %rem3A_34 = vector.broadcast %select_n3A_33 : i32 to vector<128x32xi32>
    %rem3A_35 = arith.remsi %iota3A_27, %rem3A_34 : vector<128x32xi32>
    %ne3A_36 = arith.constant 0 : i32
    %ne3A_37 = vector.broadcast %ne3A_36 : i32 to vector<128x32xi32>
    %ne3A_38 = arith.cmpi ne, %rem3A_35, %ne3A_37 : vector<128x32xi32>
    %lt3A = arith.constant 0 : i32
    %lt3A_39 = vector.broadcast %lt3A : i32 to vector<128x32xi32>
    %lt3A_40 = arith.cmpi slt, %rem3A_35, %lt3A_39 : vector<128x32xi32>
    %lt3A_41 = arith.constant 0 : i32
    %lt3A_42 = arith.cmpi slt, %select_n3A_33, %lt3A_41 : i32
    %ne3A_43 = vector.broadcast %lt3A_42 : i1 to vector<128x32xi1>
    %ne3A_44 = vector.broadcast %ne3A_43 : vector<128x32xi1> to vector<128x32xi1>
    %ne3A_45 = arith.xori %lt3A_40, %ne3A_44 : vector<128x32xi1>
    %and3A_46 = arith.andi %ne3A_45, %ne3A_38 : vector<128x32xi1>
    %add3A = vector.broadcast %select_n3A_33 : i32 to vector<128x32xi32>
    %add3A_47 = arith.addi %rem3A_35, %add3A : vector<128x32xi32>
    %select_n3A_48 = arith.select %and3A_46, %add3A_47, %rem3A_35 : vector<128x32xi1>, vector<128x32xi32>
    %eq3A_49 = arith.cmpi eq, %select_n3A_48, %iota3A_28 : vector<128x32xi32>
    %convert_element_type3A_50 = arith.extui %eq3A_49 : vector<128x32xi1> to vector<128x32xi32>
    %convert_element_type3A_51 = arith.sitofp %convert_element_type3A_50 : vector<128x32xi32> to vector<128x32xf32>
    %mul3A = arith.mulf %get3A_1, %get3A_1 : vector<2498x128xf32>
    %dot_general3A = arith.constant dense<0.000000e+00> : vector<2498x4xf32>
    %dot_general3A_52 = tpu.matmul %mul3A, %convert_element_type3A_26, %dot_general3A {dimension_numbers = #tpu.dot_dimension_numbers<[1], [0], [0], [1], [0, 0, 1, 1], [], []>, transpose_lhs_hint = false} : vector<2498x128xf32>, vector<128x4xf32>, vector<2498x4xf32> -> vector<2498x4xf32>
    %sqrt3A = math.sqrt %dot_general3A_52 : vector<2498x4xf32>
    %max3A = arith.constant 1.000000e-07 : f32
    %max3A_53 = vector.broadcast %max3A : f32 to vector<2498x4xf32>
    %max3A_54 = arith.maximumf %sqrt3A, %max3A_53 : vector<2498x4xf32>
    %div3A_55 = arith.constant 1.000000e+00 : f32
    %div3A_56 = vector.broadcast %div3A_55 : f32 to vector<2498x4xf32>
    %div3A_57 = arith.divf %div3A_56, %max3A_54 : vector<2498x4xf32>
    %min3A = arith.constant 1.000000e+00 : f32
    %min3A_58 = vector.broadcast %min3A : f32 to vector<2498x4xf32>
    %min3A_59 = arith.minimumf %min3A_58, %div3A_57 : vector<2498x4xf32>
    %transpose3A = tpu.transpose %convert_element_type3A_26, [1, 0] : vector<128x4xf32> -> vector<4x128xf32>
    %dot_general3A_60 = arith.constant dense<0.000000e+00> : vector<2498x128xf32>
    %dot_general3A_61 = tpu.matmul %min3A_59, %transpose3A, %dot_general3A_60 {dimension_numbers = #tpu.dot_dimension_numbers<[1], [0], [0], [1], [0, 0, 1, 1], [], []>, transpose_lhs_hint = false} : vector<2498x4xf32>, vector<4x128xf32>, vector<2498x128xf32> -> vector<2498x128xf32>
    %mul3A_62 = arith.mulf %get3A_1, %dot_general3A_61 : vector<2498x128xf32>
    %reduce_sum3A = arith.constant dense<0.000000e+00> : vector<128xf32>
    %reduce_sum3A_63 = vector.multi_reduction <add>, %mul3A_62, %reduce_sum3A [0] : vector<2498x128xf32> to vector<128xf32>
    %broadcast_in_dim3A = vector.shape_cast %reduce_sum3A_63 : vector<128xf32> to vector<1x128xf32>
    %dot_general3A_64 = arith.constant dense<0.000000e+00> : vector<1x32xf32>
    %dot_general3A_65 = tpu.matmul %broadcast_in_dim3A, %convert_element_type3A_51, %dot_general3A_64 {dimension_numbers = #tpu.dot_dimension_numbers<[1], [0], [0], [1], [0, 0, 1, 1], [], []>, transpose_lhs_hint = false} : vector<1x128xf32>, vector<128x32xf32>, vector<1x32xf32> -> vector<1x32xf32>
    %div3A_66 = arith.constant 9.992000e+03 : f32
    %div3A_67 = vector.broadcast %div3A_66 : f32 to vector<1x32xf32>
    %div3A_68 = arith.divf %dot_general3A_65, %div3A_67 : vector<1x32xf32>
    %transpose3A_69 = tpu.transpose %convert_element_type3A_51, [1, 0] : vector<128x32xf32> -> vector<32x128xf32>
    %dot_general3A_70 = arith.constant dense<0.000000e+00> : vector<1x128xf32>
    %dot_general3A_71 = tpu.matmul %div3A_68, %transpose3A_69, %dot_general3A_70 {dimension_numbers = #tpu.dot_dimension_numbers<[1], [0], [0], [1], [0, 0, 1, 1], [], []>, transpose_lhs_hint = false} : vector<1x32xf32>, vector<32x128xf32>, vector<1x128xf32> -> vector<1x128xf32>
    %sub3A_72 = vector.broadcast %dot_general3A_71 : vector<1x128xf32> to vector<2498x128xf32>
    %sub3A_73 = arith.subf %mul3A_62, %sub3A_72 : vector<2498x128xf32>
    %mul3A_74 = arith.mulf %sub3A_73, %sub3A_73 : vector<2498x128xf32>
    %reduce_sum3A_75 = arith.constant dense<0.000000e+00> : vector<128xf32>
    %reduce_sum3A_76 = vector.multi_reduction <add>, %mul3A_74, %reduce_sum3A_75 [0] : vector<2498x128xf32> to vector<128xf32>
    %broadcast_in_dim3A_77 = vector.shape_cast %reduce_sum3A_76 : vector<128xf32> to vector<1x128xf32>
    %dot_general3A_78 = arith.constant dense<0.000000e+00> : vector<1x32xf32>
    %dot_general3A_79 = tpu.matmul %broadcast_in_dim3A_77, %convert_element_type3A_51, %dot_general3A_78 {dimension_numbers = #tpu.dot_dimension_numbers<[1], [0], [0], [1], [0, 0, 1, 1], [], []>, transpose_lhs_hint = false} : vector<1x128xf32>, vector<128x32xf32>, vector<1x32xf32> -> vector<1x32xf32>
    %div3A_80 = arith.constant 9.992000e+03 : f32
    %div3A_81 = vector.broadcast %div3A_80 : f32 to vector<1x32xf32>
    %div3A_82 = arith.divf %dot_general3A_79, %div3A_81 : vector<1x32xf32>
    %get3A_83 = arith.constant 0 : index
    %get3A_84 = arith.constant 0 : index
    %get3A_85 = vector.load %arg1[%get3A_83, %get3A_84] : memref<1x32xf32, #tpu.memory_space<vmem>>, vector<1x32xf32>
    %add3A_86 = arith.constant 9.99999974E-6 : f32
    %add3A_87 = vector.broadcast %add3A_86 : f32 to vector<1x32xf32>
    %add3A_88 = arith.addf %div3A_82, %add3A_87 : vector<1x32xf32>
    %sqrt3A_89 = math.sqrt %add3A_88 : vector<1x32xf32>
    %div3A_90 = arith.divf %get3A_85, %sqrt3A_89 : vector<1x32xf32>
    %get3A_91 = arith.constant 0 : index
    %get3A_92 = arith.constant 0 : index
    %get3A_93 = vector.load %arg2[%get3A_91, %get3A_92] : memref<1x32xf32, #tpu.memory_space<vmem>>, vector<1x32xf32>
    %mul3A_94 = arith.mulf %div3A_68, %div3A_90 : vector<1x32xf32>
    %sub3A_95 = arith.subf %get3A_93, %mul3A_94 : vector<1x32xf32>
    %transpose3A_96 = tpu.transpose %convert_element_type3A_51, [1, 0] : vector<128x32xf32> -> vector<32x128xf32>
    %dot_general3A_97 = arith.constant dense<0.000000e+00> : vector<1x128xf32>
    %dot_general3A_98 = tpu.matmul %div3A_90, %transpose3A_96, %dot_general3A_97 {dimension_numbers = #tpu.dot_dimension_numbers<[1], [0], [0], [1], [0, 0, 1, 1], [], []>, transpose_lhs_hint = false} : vector<1x32xf32>, vector<32x128xf32>, vector<1x128xf32> -> vector<1x128xf32>
    %mul3A_99 = vector.broadcast %dot_general3A_98 : vector<1x128xf32> to vector<2498x128xf32>
    %mul3A_100 = arith.mulf %mul3A_62, %mul3A_99 : vector<2498x128xf32>
    %transpose3A_101 = tpu.transpose %convert_element_type3A_51, [1, 0] : vector<128x32xf32> -> vector<32x128xf32>
    %dot_general3A_102 = arith.constant dense<0.000000e+00> : vector<1x128xf32>
    %dot_general3A_103 = tpu.matmul %sub3A_95, %transpose3A_101, %dot_general3A_102 {dimension_numbers = #tpu.dot_dimension_numbers<[1], [0], [0], [1], [0, 0, 1, 1], [], []>, transpose_lhs_hint = false} : vector<1x32xf32>, vector<32x128xf32>, vector<1x128xf32> -> vector<1x128xf32>
    %add3A_104 = vector.broadcast %dot_general3A_103 : vector<1x128xf32> to vector<2498x128xf32>
    %add3A_105 = arith.addf %mul3A_100, %add3A_104 : vector<2498x128xf32>
    %reshape3A = vector.shape_cast %add3A_105 : vector<2498x128xf32> to vector<319744xf32>
    %swap3A = arith.constant 0 : index
    %swap3A_106 = vector.load %arg3[%swap3A] : memref<319744xf32, #tpu.memory_space<vmem>>, vector<319744xf32>
    tpu.vector_store %arg3[%swap3A], %reshape3A {strides = array<i32>} : memref<319744xf32, #tpu.memory_space<vmem>>, vector<319744xf32>,
    return
  }
}

module attributes {stable_mosaic.version = 14 : i64} {
  func.func @_tc_loss_body(%arg0: memref<128x128xf32, #tpu.memory_space<vmem>>, %arg1: memref<128x128xf32, #tpu.memory_space<vmem>>, %arg2: memref<1x1xf32, #tpu.memory_space<vmem>>) attributes {dimension_semantics = [], scalar_prefetch = 0 : i64, scratch_operands = 0 : i64, tpu.core_type = #tpu.core_type<tc>} {
    %get3A = arith.constant 0 : index
    %get3A_0 = arith.constant 0 : index
    %get3A_1 = vector.load %arg0[%get3A, %get3A_0] : memref<128x128xf32, #tpu.memory_space<vmem>>, vector<128x128xf32>
    %logistic3A = arith.negf %get3A_1 : vector<128x128xf32>
    %logistic3A_2 = math.exp %logistic3A : vector<128x128xf32>
    %logistic3A_3 = arith.constant 1.000000e+00 : f32
    %logistic3A_4 = vector.broadcast %logistic3A_3 : f32 to vector<128x128xf32>
    %logistic3A_5 = arith.addf %logistic3A_4, %logistic3A_2 : vector<128x128xf32>
    %logistic3A_6 = arith.divf %logistic3A_4, %logistic3A_5 : vector<128x128xf32>
    %swap3A = arith.constant 0 : index
    %swap3A_7 = arith.constant 0 : index
    %swap3A_8 = vector.load %arg1[%swap3A, %swap3A_7] : memref<128x128xf32, #tpu.memory_space<vmem>>, vector<128x128xf32>
    tpu.vector_store %arg1[%swap3A, %swap3A_7], %logistic3A_6 {strides = array<i32>} : memref<128x128xf32, #tpu.memory_space<vmem>>, vector<128x128xf32>,
    %neg3A = arith.constant 0.000000e+00 : f32
    %neg3A_9 = vector.broadcast %neg3A : f32 to vector<128x128xf32>
    %neg3A_10 = arith.subf %neg3A_9, %get3A_1 : vector<128x128xf32>
    %max3A = arith.constant 0.000000e+00 : f32
    %max3A_11 = vector.broadcast %max3A : f32 to vector<128x128xf32>
    %max3A_12 = arith.maximumf %neg3A_10, %max3A_11 : vector<128x128xf32>
    %abs3A = math.absf %get3A_1 : vector<128x128xf32>
    %neg3A_13 = arith.constant 0.000000e+00 : f32
    %neg3A_14 = vector.broadcast %neg3A_13 : f32 to vector<128x128xf32>
    %neg3A_15 = arith.subf %neg3A_14, %abs3A : vector<128x128xf32>
    %exp3A = math.exp %neg3A_15 : vector<128x128xf32>
    %log1p3A = math.log1p %exp3A : vector<128x128xf32>
    %add3A = arith.addf %max3A_12, %log1p3A : vector<128x128xf32>
    %reduce_sum3A = vector.shape_cast %add3A : vector<128x128xf32> to vector<1x128x128xf32>
    %reduce_sum3A_16 = arith.constant dense<0.000000e+00> : vector<1xf32>
    %reduce_sum3A_17 = vector.multi_reduction <add>, %reduce_sum3A, %reduce_sum3A_16 [1, 2] : vector<1x128x128xf32> to vector<1xf32>
    %reduce_sum3A_18 = vector.shape_cast %reduce_sum3A_17 : vector<1xf32> to vector<1x1x1xf32>
    %reduce_sum3A_19 = vector.extract %reduce_sum3A_18[0, 0, 0] : f32 from vector<1x1x1xf32>
    %div3A = arith.constant 1.638400e+04 : f32
    %div3A_20 = arith.divf %reduce_sum3A_19, %div3A : f32
    %reshape3A = vector.broadcast %div3A_20 : f32 to vector<1x1xf32>
    %swap3A_21 = arith.constant 0 : index
    %swap3A_22 = arith.constant 0 : index
    %swap3A_23 = vector.load %arg2[%swap3A_21, %swap3A_22] : memref<1x1xf32, #tpu.memory_space<vmem>>, vector<1x1xf32>
    tpu.vector_store %arg2[%swap3A_21, %swap3A_22], %reshape3A {strides = array<i32>} : memref<1x1xf32, #tpu.memory_space<vmem>>, vector<1x1xf32>,
    return
  }
}

</mosaic_0001>

<sc_bundles>
// kernel: kernel.5.cloned.1.call-start
scs
__scs_entry_jumppad:
0x0: {  	(pc) =	sbr.rel $0x88, $3  }
0x1: {  	(tag) =	ssettag $0x0;
	lr =	simm.s32 $0x1  }
0x2: {  	[smem:$0x3F9C] =	sst lr;
	_ =	strace $0xD0000000  }
0x3: {  	_ = 	snop  }
0x4: {  	_ = 	snop  }
0x5: {  	_ = 	snop  }
0x6: {  	_ = 	snop  }
0x7: {  	_ = 	snop  }
__scs_overlays_trampoline_lowered:
0x8: {  	[smem:$0x3FAB] =	sst s0  }
0x9: {  	[smem:$0x3FAC] =	sst s1  }
0xa: {  	[smem:$0x3FAD] =	sst s2  }
0xb: {  	[smem:$0x3FAE] =	sst s3  }
0xc: {  	[smem:$0x3FAF] =	sst s4  }
0xd: {  	[smem:$0x3FB0] =	sst s5  }
0xe: {  	[smem:$0x3FB1] =	sst s6  }
0xf: {  	[smem:$0x3FB2] =	sst s7  }
0x10: {  	[smem:$0x3FB3] =	sst s8  }
0x11: {  	[smem:$0x3FB4] =	sst s9;
	s0 =	simm.s32 @!p0 $0x0  }
0x12: {  	s1 =	sld [smem:$0x3F9A];
	s0 =	simm.s32 @p0 $0x1  }
0x13: {  	[smem:$0x3FB5] =	sst s0;
	s0 =	simm.s32 @!p1 $0x0  }
0x14: {  	s2 =	sld [smem:$0x3F99];
	s0 =	simm.s32 @p1 $0x1  }
0x15: {  	[smem:$0x3FB6] =	sst s0;
	s0 =	simm.s32 @!p2 $0x0  }
0x16: {  	s3 =	sld [smem:$0x3FDB];
	s0 =	simm.s32 @p2 $0x1  }
0x17: {  	s4 =	simm.s32 $0x1BF5;
	[smem:$0x3FB8] =	sst s0  }
0x18: {  	s0 =	sld [smem:$0x3F9B];
	_ =	swait.ge [sflag:s4], $0x0  }
0x19: {  	s7 =	sld [smem:$0x3F9C]  }
0x1a: {  	s8 =	sadd.s32 $0xFFFFE003, lr  }
0x1b: {  	s9 =	sadd.s32 $0xFFFFFEF7, lr;
	s5 =	simm.s32 $0xFFFFFFFF;
	p2 =	slt.u32 s8, $0xFFFFF086  }
0x1c: {  	p1 =	slt.u32 s9, $0xF7A;
	s5 =	simm.s32 @!p2 $0x0  }
0x1d: {  	s5 =	simm.s32 @p1 $0x1;
	p0 =	seq.s32 s7, s2  }
0x1e: {  	s7 =	smul.u32 @!p0 $0xF7A, s2;
	p2 =	seq.s32 @!p0 s5, $0x0  }
0x1f: {  	s9 =	smul.u32 $0xF7A, s1;
	s8 =	simm.s32 @!p0 $0x1BF5;
	p2 =	por !p2, p0  }
0x20: {  	[sflag:s8] =	ssyncset.s32 @!p0 $0xFFFFF086;
	s6 =	sadd.s32 @!p0 s3, s7;
	s7 =	simm.s32 @!p0 $0x108  }
0x21: {  	s3 =	sadd.s32 s3, s9;
	s6 =	sadd.s32 @!p0 $0x88, s6;
	s7 =	simm.s32 @p2 $0x1082  }
0x22: {  	[simem:s7], [sflag:s8] =	dma.local @!p0 [hbm:s6], $0xF7A  }
0x23: {  	s9 =	sor.u32 $0xD0000000, s2;
	s6 =	simm.s32 $0x108;
	_ =	swait.ge @!p0 [sflag:s8], $0x0  }
0x24: {  	s3 =	sadd.s32 $0x88, s3;
	s6 =	simm.s32 @!p1 $0x1082;
	[sflag:s4] =	ssyncset.s32 $0xFFFFF086  }
0x25: {  	[simem:s6], [sflag:s4] =	dma.local [hbm:s3], $0xF7A  }
0x26: {  	[smem:$0x3F9C] =	sst s1;
	(tag) =	ssettag s2;
	_ =	strace s9  }
0x27: {  	s1 =	sld [smem:$0x3FAC]  }
0x28: {  	s2 =	sld [smem:$0x3FAD]  }
0x29: {  	s4 =	sld [smem:$0x3FAF]  }
0x2a: {  	p0 =	seq.s32 s5, $0x0;
	s5 =	sld [smem:$0x3FB0]  }
0x2b: {  	s6 =	sld [smem:$0x3FB1]  }
0x2c: {  	s7 =	sld [smem:$0x3FB2]  }
0x2d: {  	s3 =	simm.s32 $0x108;
	s8 =	sld [smem:$0x3FB3]  }
0x2e: {  	s3 =	simm.s32 @!p0 $0x1082;
	s9 =	sld [smem:$0x3FB4]  }
0x2f: {  	lr =	sadd.s32 s0, s3;
	s0 =	sld [smem:$0x3FAB]  }
0x30: {  	s3 =	sld [smem:$0x3FAE]  }
0x31: {  	[smem:$0x3FB7] =	sst s10  }
0x32: {  	s10 =	sld [smem:$0x3FB5];
	_ =	sdelay $0x3  }
0x33: {  	p0 =	seq.s32 s10, $0x1;
	s10 =	sld [smem:$0x3FB7];
	_ =	sdelay $0x3  }
0x34: {  	[smem:$0x3FB7] =	sst s10  }
0x35: {  	s10 =	sld [smem:$0x3FB6];
	_ =	sdelay $0x3  }
0x36: {  	p1 =	seq.s32 s10, $0x1;
	s10 =	sld [smem:$0x3FB7];
	_ =	sdelay $0x3  }
0x37: {  	[smem:$0x3FB7] =	sst s10  }
0x38: {  	s10 =	sld [smem:$0x3FB8]  }
0x39: {  	_ = 	snop;
	(pc) =	sbr.ind lr, $3  }
0x3a: {  	_ = 	snop  }
0x3b: {  	_ = 	snop  }
0x3c: {  	p2 =	seq.s32 s10, $0x1;
	s10 =	sld [smem:$0x3FB7]  }
0x3d: {  	_ =	shalt  }
0x3e: {  	_ =	shalt  }
0x3f: {  	_ =	shalt  }
0x40: {  	_ =	shalt  }
0x41: {  	_ =	shalt  }
0x42: {  	_ =	shalt  }
0x43: {  	_ =	shalt  }
0x44: {  	_ =	shalt  }
0x45: {  	_ =	shalt  }
0x46: {  	_ =	shalt  }
0x47: {  	_ =	shalt  }
0x48: {  	_ =	shalt  }
0x49: {  	_ =	shalt  }
0x4a: {  	_ =	shalt  }
0x4b: {  	_ =	shalt  }
0x4c: {  	_ =	shalt  }
0x4d: {  	_ =	shalt  }
0x4e: {  	_ =	shalt  }
0x4f: {  	_ =	shalt  }
0x50: {  	_ =	shalt  }
0x51: {  	_ =	shalt  }
0x52: {  	_ =	shalt  }
0x53: {  	_ =	shalt  }
0x54: {  	_ =	shalt  }
0x55: {  	_ =	shalt  }
0x56: {  	_ =	shalt  }
0x57: {  	_ =	shalt  }
0x58: {  	_ =	shalt  }
0x59: {  	_ =	shalt  }
0x5a: {  	_ =	shalt  }
0x5b: {  	_ =	shalt  }
0x5c: {  	_ =	shalt  }
0x5d: {  	_ =	shalt  }
0x5e: {  	_ =	shalt  }
0x5f: {  	_ =	shalt  }
0x60: {  	_ =	shalt  }
0x61: {  	_ =	shalt  }
0x62: {  	_ =	shalt  }
0x63: {  	_ =	shalt  }
0x64: {  	_ =	shalt  }
0x65: {  	_ =	shalt  }
0x66: {  	_ =	shalt  }
0x67: {  	_ =	shalt  }
0x68: {  	_ =	shalt  }
0x69: {  	_ =	shalt  }
0x6a: {  	_ =	shalt  }
0x6b: {  	_ =	shalt  }
0x6c: {  	_ =	shalt  }
0x6d: {  	_ =	shalt  }
0x6e: {  	_ =	shalt  }
0x6f: {  	_ =	shalt  }
0x70: {  	_ =	shalt  }
0x71: {  	_ =	shalt  }
0x72: {  	_ =	shalt  }
0x73: {  	_ =	shalt  }
0x74: {  	_ =	shalt  }
0x75: {  	_ =	shalt  }
0x76: {  	_ =	shalt  }
0x77: {  	_ =	shalt  }
0x78: {  	_ =	shalt  }
0x79: {  	_ =	shalt  }
0x7a: {  	_ =	shalt  }
0x7b: {  	_ =	shalt  }
0x7c: {  	_ =	shalt  }
0x7d: {  	_ =	shalt  }
0x7e: {  	_ =	shalt  }
0x7f: {  	_ =	shalt  }
0x80: {  	_ =	shalt  }
0x81: {  	_ =	shalt  }
0x82: {  	_ =	shalt  }
0x83: {  	_ =	shalt  }
0x84: {  	_ =	shalt  }
0x85: {  	_ =	shalt  }
0x86: {  	_ =	shalt  }
0x87: {  	_ =	shalt  }
.Lfunc_end0:
.L_simem_size_0:
called_computation_lowered:
.L_overlay_start_0:
0x88: {  	s2 =	sld [smem:$0x3FD9]  }
0x89: {  	s3 =	sld [smem:$0x3FFE];
	_ =	sdelay $0x1  }
0x8a: {  	s1 =	srdreg.scid  }
0x8b: {  	s0 =	sand.u32 $0x1, s1  }
0x8c: {  	s14 =	sshll.u32 s0, $0xA;
	s2 =	sadd.s32 s3, s2  }
0x8d: {  	s2 =	sadd.s32 s2, s14  }
0x8e: {  	[smem:$0x3FC3] =	sst s2  }
0x8f: {  	_ = 	snop  }
0x90: {  	s2 =	sld [smem:$0x3FD0];
	_ =	sdelay $0x2  }
0x91: {  	s15 =	simm.s32 $0xA;
	s4 =	simm.s32 $0x10  }
0x92: {  	[smem:s4], [sflag:s15] =	dma.local [hbm:s2], $0x1  }
0x93: {  	_ =	swait.eq [sflag:s15], $0x1  }
0x94: {  	[sflag:s15] =	ssyncset.done $0x0  }
0x95: {  	[sflag:s15] =	ssyncadd.s32 $0xFFFFFFFF  }
0x96: {  	s16 =	sld [smem:$0x11];
	(tm) =	ssettm $0x1  }
0x97: {  	s17 =	sld [smem:$0x3FFB];
	_ =	sdelay $0x3  }
0x98: {  	_ =	strace s17  }
0x99: {  	s3 =	sld [smem:$0x3FFC];
	_ =	sdelay $0x3  }
0x9a: {  	_ =	strace s3  }
0x9b: {  	s3 =	sld [smem:$0x3FFD];
	_ =	sdelay $0x3  }
0x9c: {  	_ =	strace s3  }
0x9d: {  	_ =	strace $0x8FFFFFFF  }
0x9e: {  	s18 =	sld [smem:$0x3FDB];
	_ =	sdelay $0x1  }
0x9f: {  	s19 =	simm.s32 $_scs_section_size  }
0xa0: {  	s5 =	simm.s32 $_size__tile_overlayer_lowered;
	s6 =	simm.s32 $_tile_overlayer_lowered  }
0xa1: {  	s22 =	simm.s32 $0x1BFF;
	s21 =	sshll.u32 s6, $0x1;
	s3 =	sadd.s32 s19, s18  }
0xa2: {  	s7 =	simm.s32 $0x0;
	s20 =	sshll.u32 s5, $0x1;
	s5 =	sadd.s32 s21, s3  }
0xa3: {  	[timem:s7], [sflag:s22] =	dma.local [hbm:s5], s20  }
0xa4: {  	_ =	swait.ge [sflag:s22], s20  }
0xa5: {  	s4 =	ssub.s32 $0x0, s20;
	[sflag:s22] =	ssyncset.done $0x0  }
0xa6: {  	[sflag:s22] =	ssyncadd.s32 s4;
	_ =	sdelay $0x1  }
0xa7: {  	s23 =	simm.s32 $0x1B8B  }
0xa8: {  	_ =	swait.ge [sflag:s23], $0x1  }
0xa9: {  	[sflag:s23] =	ssyncset.done $0x0  }
0xaa: {  	s25 =	simm.s32 $0x1B8E;
	s24 =	sld [smem:$0x3FFE];
	[sflag:s23] =	ssyncadd.s32 $0xFFFFFFFF  }
0xab: {  	s26 =	simm.s32 $execute0_lowered;
	[smem:$0x3FD2] =	sst s25  }
0xac: {  	s5 =	sshll.u32 s26, $0x1;
	_ =	strace $0x80000046;
	[dreg:$0x1] =	wrdreg $0xFFFFFFFF  }
0xad: {  	s28 =	simm.s32 $_size_execute0_lowered;
	s3 =	sadd.s32 s3, s5;
	[dreg:$0x0] =	wrdreg $0x0  }
0xae: {  	s5 =	sshll.u32 s28, $0x1;
	[dreg:$0x2] =	wrdreg s3  }
0xaf: {  	[dreg:$0x3] =	wrdreg s5  }
0xb0: {  	[dreg:$0x4] =	wrdreg $0xC0  }
0xb1: {  	_ =	task [dreg:s7], $0x5FFFF  }
0xb2: {  	[dreg:$0x1] =	wrdreg $0xFFFFFFFF  }
0xb3: {  	[dreg:$0x0] =	wrdreg $0x60  }
0xb4: {  	[dreg:$0x2] =	wrdreg s24  }
0xb5: {  	[dreg:$0x3] =	wrdreg s16  }
0xb6: {  	[dreg:$0x4] =	wrdreg $0x9  }
0xb7: {  	_ =	task.clear_ibuf [dreg:s7], $0x5FFFF;
	_ =	strace $0x90000046  }
0xb8: {  	s29 =	simm.s32 $0x9;
	_ =	strace $0x80000048  }
0xb9: {  	_ =	swait.ge [sflag:s29], $0x1  }
0xba: {  	[sflag:s29] =	ssyncadd.s32 $0xFFFFFFFF  }
0xbb: {  	_ =	strace $0x90000048  }
0xbc: {  	_ =	sfence  }
0xbd: {  	s30 =	sld [smem:$0x0];
	_ =	sdelay $0x2  }
0xbe: {  	s31 =	sshll.u32 s1, $0xD;
	s1 =	sshrl.u32 s1, $0x2  }
0xbf: {  	s3 =	sand.u32 $0x4000, s31;
	s1 =	sadd.s32 s1, s30  }
0xc0: {  	s0 =	sor.u32 s3, s0;
	s1 =	sshll.u32 s1, $0x11  }
0xc1: {  	s0 =	sor.u32 s1, s0  }
0xc2: {  	s0 =	sadd.s32 $0x8F2B, s0  }
0xc3: {  	[sflag:s0] =	ssyncadd.remote.s32 $0x1  }
0xc4: {  	_ =	sfence.sel $0xFFFF  }
0xc5: {  	[dreg:$0x0] =	wrdreg $0xFFFFFFFF;
	(pc) =	sbr.abs _section_cstart, $3  }
0xc6: {  	[dreg:$0x1] =	wrdreg $0xFFFFFFFF  }
0xc7: {  	_ =	task.clear_ibuf [dreg:s7], $0x2FFFF;
	_ =	strace $0x9FFFFFFF  }
0xc8: {  	(tm) =	ssettm $0x7FFFFFFF  }
0xc9: {  	_ =	shalt  }
tec
execute0_lowered:
.L_overlay_start_1:
0x0: {  	(tag) =	ssettag $0x1  }
0x1: {  	s5 =	rddreg [dreg:$0x0]  }
0x2: {  	s7 =	rddreg [dreg:$0x1]  }
0x3: {  	s0 =	rddreg [dreg:$0x2];
	s2 =	simm.s32 $0x0;
	s3 =	srdreg.scid  }
0x4: {  	s1 =	stileid.u32;
	s11 =	simm.s32 $0x200;
	s12 =	simm.s32 $0x400  }
0x5: {  	s13 =	simm.s32 $0x600;
	s14 =	simm.s32 $0x4600;
	s15 =	simm.s32 $0x8600  }
0x6: {  	s16 =	simm.s32 $0x1;
	s17 =	simm.s32 $0xC600;
	s18 =	simm.s32 $0x0  }
0x7: {  	[smem:$0x7FF] =	sst s2;
	s4 =	sand.u32 $0x1, s3;
	s6 =	sshll.u32 s1, $0x7  }
0x8: {  	vm0 =	vmmov $0x1;
	vm1 =	vmmov $0x3;
	vm2 =	vmmov $0x7;
	s3 =	sadd.s32 $0xC600, s5;
	s8 =	sshll.u32 s4, $0x6;
	s30 =	ssub.s32 $0x2, s4  }
0x9: {  	vm3 =	vmmov $0xf;
	vm4 =	vmmov $0x1f;
	vm5 =	vmmov $0x3f;
	_ =	strace $0x80000047;
	s8 =	sor.u32 s8, s6;
	s31 =	sshrl.u32 s30, $0x1  }
0xa: {  	vm6 =	vmmov $0x7f;
	vm7 =	vmmov $0xff;
	vm8 =	vmmov $0x1ff;
	s4 =	sadd.s32 $0x1800, s5;
	s9 =	sadd.s32 s8, s5;
	s10 =	ssub.s32 s30, s31  }
0xb: {  	vm9 =	vmmov $0x3ff;
	vm10 =	vmmov $0x7ff;
	vm11 =	vmmov $0xfff;
	s7 =	sadd.s32 s7, s8;
	s5 =	sadd.s32 $0xBE00, s9;
	s6 =	sadd.s32 $0xB600, s9  }
0xc: {  	vm12 =	vmmov $0x1fff;
	vm13 =	vmmov $0x3fff;
	vm14 =	vmmov $0x7fff;
	s8 =	sadd.s32 $0x16400, s9;
	s9 =	smax.u32 s10, $0x1;
	s10 =	simm.s32 $0x2  }
.LBB2_1:
0xd: {  	[tilespmem:s2], [sflag:$0x2] =	stream.linear.gather [hbm4b:s5+s2], $0x200, $0x38;
	[tilespmem:$0xC800] =	vst v63  }
0xe: {  	_ =	swait.ge [sflag:s10], $0x200  }
0xf: {  	[sflag:s10] =	ssyncset.done $0x0  }
0x10: {  	[sflag:s10] =	ssyncadd.s32 $0xFFFFFE00  }
0x11: {  	[tilespmem:s11], [sflag:$0x2] =	stream.linear.gather [hbm4b:s6+s2], $0x200, $0x38;
	[tilespmem:$0xC800] =	vst v63  }
0x12: {  	_ =	swait.ge [sflag:s10], $0x200  }
0x13: {  	[sflag:s10] =	ssyncset.done $0x0  }
0x14: {  	[sflag:s10] =	ssyncadd.s32 $0xFFFFFE00  }
0x15: {  	[tilespmem:s12], [sflag:$0x2] =	stream.linear.gather [hbm4b:s7+s2], $0x200, $0x38;
	[tilespmem:$0xC800] =	vst v63  }
0x16: {  	_ =	swait.ge [sflag:s10], $0x200  }
0x17: {  	[sflag:s10] =	ssyncset.done $0x0  }
0x18: {  	[sflag:s10] =	ssyncadd.s32 $0xFFFFFE00  }
0x19: {  	[tilespmem:s13], [sflag:$0x1] =	stream.indirect.gather [hbm4b:s3+s11], $0x20, s2, s11, $0xb8;
	[tilespmem:$0xC800] =	vst v63  }
0x1a: {  	_ = 	snop  }
0x1b: {  	[tilespmem:s14], [sflag:$0x1] =	stream.indirect.gather [hbm4b:s4+s11], $0x20, s11, s11, $0xb8;
	[tilespmem:$0xC800] =	vst v63  }
0x1c: {  	_ = 	snop  }
0x1d: {  	[tilespmem:s15], [sflag:$0x1] =	stream.indirect.gather [hbm4b:s3+s11], $0x20, s12, s11, $0xb8;
	[tilespmem:$0xC800] =	vst v63  }
0x1e: {  	_ =	swait.ge [sflag:s16], $0x4000  }
0x1f: {  	[sflag:s16] =	ssyncset.done $0x0  }
0x20: {  	[sflag:s16] =	ssyncadd.s32 $0xFFFFC000  }
0x21: {  	_ =	swait.ge [sflag:s16], $0x4000  }
0x22: {  	[sflag:s16] =	ssyncset.done $0x0  }
0x23: {  	[sflag:s16] =	ssyncadd.s32 $0xFFFFC000  }
0x24: {  	_ =	swait.ge [sflag:s16], $0x4000  }
0x25: {  	[sflag:s16] =	ssyncset.done $0x0  }
0x26: {  	s19 =	simm.s32 $0x0;
	[sflag:s16] =	ssyncadd.s32 $0xFFFFC000  }
0x27: {  	v9 =	vld [tilespmem:s19+$0x87C0]  }
0x28: {  	v10 =	vld [tilespmem:s19+$0x87D0]  }
0x29: {  	v11 =	vld [tilespmem:s19+$0x7C0]  }
0x2a: {  	v12 =	vld [tilespmem:s19+$0x47C0]  }
0x2b: {  	v13 =	vld [tilespmem:s19+$0x7D0]  }
0x2c: {  	v14 =	vld [tilespmem:s19+$0x47D0]  }
0x2d: {  	v15 =	vld [tilespmem:s19+$0x8780]  }
0x2e: {  	v16 =	vld [tilespmem:s19+$0x8790]  }
0x2f: {  	v3 =	vld [tilespmem:s19+$0x7A0]  }
0x30: {  	v4 =	vld [tilespmem:s19+$0x47A0]  }
0x31: {  	v5 =	vld [tilespmem:s19+$0x7B0]  }
0x32: {  	v17 =	vld [tilespmem:s19+$0x8760]  }
0x33: {  	v18 =	vld [tilespmem:s19+$0x8770]  }
0x34: {  	v19 =	vld [tilespmem:s19+$0x780]  }
0x35: {  	v20 =	vld [tilespmem:s19+$0x4780]  }
0x36: {  	v21 =	vld [tilespmem:s19+$0x790]  }
0x37: {  	v22 =	vld [tilespmem:s19+$0x4790]  }
0x38: {  	v23 =	vld [tilespmem:s19+$0x760]  }
0x39: {  	v24 =	vld [tilespmem:s19+$0x4760]  }
0x3a: {  	v25 =	vld [tilespmem:s19+$0x770]  }
0x3b: {  	v26 =	vld [tilespmem:s19+$0x4770]  }
0x3c: {  	v27 =	vld [tilespmem:s19+$0x8720]  }
0x3d: {  	v28 =	vld [tilespmem:s19+$0x8730]  }
0x3e: {  	v6 =	vld [tilespmem:s19+$0x740]  }
0x3f: {  	v7 =	vld [tilespmem:s19+$0x4740]  }
0x40: {  	v8 =	vld [tilespmem:s19+$0x750]  }
0x41: {  	v29 =	vld [tilespmem:s19+$0x8700]  }
0x42: {  	v30 =	vld [tilespmem:s19+$0x8710]  }
0x43: {  	v31 =	vld [tilespmem:s19+$0x720]  }
0x44: {  	v32 =	vld [tilespmem:s19+$0x4720]  }
0x45: {  	v33 =	vld [tilespmem:s19+$0x730]  }
0x46: {  	v34 =	vld [tilespmem:s19+$0x4730]  }
0x47: {  	v35 =	vld [tilespmem:s19+$0x700]  }
0x48: {  	v36 =	vld [tilespmem:s19+$0x4700]  }
0x49: {  	v37 =	vld [tilespmem:s19+$0x710]  }
0x4a: {  	v38 =	vld [tilespmem:s19+$0x4710]  }
0x4b: {  	v39 =	vld [tilespmem:s19+$0x86C0]  }
0x4c: {  	v40 =	vld [tilespmem:s19+$0x86D0]  }
0x4d: {  	v41 =	vld [tilespmem:s19+$0x6E0]  }
0x4e: {  	v42 =	vld [tilespmem:s19+$0x46E0]  }
0x4f: {  	v44 =	vld [tilespmem:s19+$0x86A0]  }
0x50: {  	v45 =	vld [tilespmem:s19+$0x86B0]  }
0x51: {  	v46 =	vld [tilespmem:s19+$0x6C0]  }
0x52: {  	v47 =	vld [tilespmem:s19+$0x46C0]  }
0x53: {  	v48 =	vld [tilespmem:s19+$0x6D0]  }
0x54: {  	v49 =	vld [tilespmem:s19+$0x46D0]  }
0x55: {  	v50 =	vld [tilespmem:s19+$0x6A0]  }
0x56: {  	v51 =	vld [tilespmem:s19+$0x46A0]  }
0x57: {  	v52 =	vld [tilespmem:s19+$0x6B0]  }
0x58: {  	v53 =	vld [tilespmem:s19+$0x46B0]  }
0x59: {  	v54 =	vld [tilespmem:s19+$0x8660]  }
0x5a: {  	v55 =	vld [tilespmem:s19+$0x8670]  }
0x5b: {  	v56 =	vld [tilespmem:s19+$0x680]  }
0x5c: {  	v57 =	vld [tilespmem:s19+$0x4680]  }
0x5d: {  	v58 =	vld [tilespmem:s19+$0x690]  }
0x5e: {  	v59 =	vld [tilespmem:s19+$0x8640]  }
0x5f: {  	v60 =	vld [tilespmem:s19+$0x8650]  }
0x60: {  	v61 =	vld [tilespmem:s19+$0x660]  }
0x61: {  	v62 =	vld [tilespmem:s19+$0x4660]  }
0x62: {  	v11 =	vmul.f32 v12, v11;
	v12 =	vmul.f32 v14, v13;
	v13 =	vld [tilespmem:s19+$0x670]  }
0x63: {  	v14 =	vld [tilespmem:s19+$0x4670]  }
0x64: {  	v9 =	vmul.f32 v9, v11;
	v10 =	vmul.f32 v10, v12;
	v11 =	vld [tilespmem:s19+$0x8600]  }
0x65: {  	v12 =	vmul.f32 v20, v19;
	v19 =	vmul.f32 v22, v21;
	v20 =	vld [tilespmem:s19+$0x8610]  }
0x66: {  	v21 =	vmul.f32 v24, v23;
	v22 =	vmul.f32 v26, v25;
	v23 =	vld [tilespmem:s19+$0x640]  }
0x67: {  	v24 =	vld [tilespmem:s19+$0x4650];
	v25 =	vmul.f32 v36, v35;
	v26 =	vmul.f32 v38, v37  }
0x68: {  	v12 =	vmul.f32 v15, v12;
	v15 =	vmul.f32 v16, v19;
	v16 =	vld [tilespmem:s19+$0x4640]  }
0x69: {  	v17 =	vmul.f32 v17, v21;
	v18 =	vmul.f32 v18, v22;
	v19 =	vld [tilespmem:s19+$0x650]  }
0x6a: {  	v21 =	vmul.f32 v32, v31;
	v31 =	vld [tilespmem:s19+$0x4600];
	v25 =	vmul.f32 v29, v25  }
0x6b: {  	v26 =	vmul.f32 v30, v26;
	v29 =	vmul.f32 v47, v46;
	v47 =	vld [tilespmem:s19+$0x4610]  }
0x6c: {  	v30 =	vmul.f32 v49, v48;
	v48 =	vmul.f32 v51, v50;
	v50 =	vld [tilespmem:s19+$0x620]  }
0x6d: {  	v22 =	vmul.f32 v34, v33;
	v49 =	vmul.f32 v53, v52;
	v53 =	vld [tilespmem:s19+$0x630]  }
0x6e: {  	v13 =	vmul.f32 v14, v13;
	v14 =	vld [tilespmem:s19+$0x4630];
	v21 =	vmul.f32 v27, v21  }
0x6f: {  	v22 =	vmul.f32 v28, v22;
	v27 =	vld [tilespmem:s19+$0x600];
	v29 =	vmul.f32 v39, v29  }
0x70: {  	v9 =	vadd.f32 v10, v9;
	v28 =	vld [tilespmem:s19+$0x610];
	v30 =	vmul.f32 v40, v30;
	v10 =	vmul.f32 v44, v48  }
0x71: {  	v51 =	vld [tilespmem:s19+$0x4620];
	v52 =	vmul.f32 v45, v49;
	v12 =	vadd.f32 v15, v12;
	v15 =	vmul.f32 v62, v61  }
0x72: {  	(xrf2) =	vadd.scan.msk.f32 $0xffff, v9;
	v9 =	vadd.f32 v18, v17;
	v18 =	vld [tilespmem:s19+$0x8620];
	v13 =	vmul.f32 v55, v13;
	v16 =	vmul.f32 v16, v23  }
0x73: {  	(xrf2) =	vadd.scan.msk.f32 $0xffff, v12;
	v12 =	vadd.f32 v22, v21;
	v15 =	vmul.f32 v54, v15;
	v17 =	vmul.f32 v24, v19;
	v19 =	vld [tilespmem:s19+$0x8630]  }
0x74: {  	v21 =	vld [tilespmem:s19+$0x4690];
	(xrf2) =	vadd.scan.msk.f32 $0xffff, v9;
	v9 =	vadd.f32 v26, v25;
	v14 =	vmul.f32 v14, v53;
	v16 =	vmul.f32 v59, v16  }
0x75: {  	v24 =	vld [tilespmem:s19+$0x8680];
	(xrf2) =	vadd.scan.msk.f32 $0xffff, v12;
	v12 =	vadd.f32 v30, v29;
	v22 =	vmul.f32 v31, v27;
	v23 =	vmul.f32 v47, v28  }
0x76: {  	v25 =	vld [tilespmem:s19+$0x8690];
	v17 =	vmul.f32 v60, v17;
	(xrf2) =	vadd.scan.msk.f32 $0xffff, v9;
	v9 =	vadd.f32 v52, v10;
	v10 =	vmul.f32 v51, v50  }
0x77: {  	v43 =	vld [tilespmem:s19+$0x6F0];
	(xrf2) =	vadd.scan.msk.f32 $0xffff, v12;
	v12 =	vadd.f32 v13, v15;
	v11 =	vmul.f32 v11, v22;
	v13 =	vmul.f32 v20, v23  }
0x78: {  	v15 =	vld [tilespmem:s19+$0x46F0];
	(xrf2) =	vadd.scan.msk.f32 $0xffff, v9;
	v9 =	vadd.f32 v17, v16;
	v10 =	vmul.f32 v18, v10;
	v14 =	vmul.f32 v19, v14  }
0x79: {  	v16 =	vld [tilespmem:s19+$0x86E0];
	(xrf2) =	vadd.scan.msk.f32 $0xffff, v12;
	v12 =	vmul.f32 v57, v56;
	v11 =	vadd.f32 v13, v11;
	v13 =	vmul.f32 v21, v58  }
0x7a: {  	(xrf2) =	vadd.scan.msk.f32 $0xffff, v9;
	v9 =	vadd.f32 v14, v10;
	v10 =	vld [tilespmem:s19+$0x4750]  }
0x7b: {  	v17 =	vld [tilespmem:s19+$0x86F0];
	(xrf2) =	vadd.scan.msk.f32 $0xffff, v11;
	v11 =	vmul.f32 v24, v12;
	v12 =	vmul.f32 v25, v13  }
0x7c: {  	v19 =	vld [tilespmem:s19+$0x8750]  }
0x7d: {  	v18 =	vmul.f32 v42, v41;
	v11 =	vadd.f32 v12, v11;
	v12 =	vld [tilespmem:s19+$0x47B0]  }
0x7e: {  	v6 =	vmul.f32 v7, v6;
	v13 =	vld [tilespmem:s19+$0x8740];
	v15 =	vmul.f32 v15, v43;
	v14, _, _ =	vpop (xrf2);
	(xrf2) =	vadd.scan.msk.f32 $0xffff, v9  }
0x7f: {  	v16 =	vmul.f32 v16, v18;
	v9, _, _ =	vpop (xrf2);
	v7 =	vmul.f32 v10, v8;
	v8 =	vld [tilespmem:s19+$0x87B0]  }
0x80: {  	v20, _, _ =	vpop (xrf2)  }
0x81: {  	v3 =	vmul.f32 v4, v3;
	v15 =	vmul.f32 v17, v15;
	v17 =	vld [tilespmem:s19+$0x87A0];
	v18, _, _ =	vpop (xrf2)  }
0x82: {  	v1 =	vld [tilespmem:s19+$0x7E0];
	v10, _, _ =	vpop (xrf2);
	v7 =	vmul.f32 v19, v7;
	v4 =	vmul.f32 v12, v5  }
0x83: {  	v2 =	vld [tilespmem:s19+$0x47E0];
	(xrf2) =	vadd.scan.msk.f32 $0xffff, v11;
	v11 =	vadd.f32 v15, v16;
	v16, _, _ =	vpop (xrf2)  }
0x84: {  	v0 =	vld [tilespmem:s19+$0x87E0];
	v6 =	vmul.f32 v13, v6;
	v19, _, _ =	vpop (xrf2);
	v4 =	vmul.f32 v8, v4  }
0x85: {  	v15 =	vld [tilespmem:s19+$0x7F0];
	v5, _, _ =	vpop (xrf2)  }
0x86: {  	v13 =	vld [tilespmem:s19+$0x47F0];
	v3 =	vmul.f32 v17, v3;
	v6 =	vadd.f32 v7, v6;
	v7, _, _ =	vpop (xrf2)  }
0x87: {  	v8, _, _ =	vpop (xrf2)  }
0x88: {  	v1 =	vmul.f32 v2, v1;
	v2 =	vld [tilespmem:s19+$0x87F0];
	(xrf2) =	vadd.scan.msk.f32 $0xffff, v11;
	v3 =	vadd.f32 v4, v3;
	v4, _, _ =	vpop (xrf2)  }
0x89: {  	v4 =	vbroadcast v4, $0xF  }
0x8a: {  	v0 =	vmul.f32 v0, v1  }
0x8b: {  	(xrf2) =	vadd.scan.msk.f32 $0xffff, v6;
	v1 =	vmul.f32 v13, v15;
	v6 =	vbroadcast v8, $0xF;
	_ =	sdelay $0x1  }
0x8c: {  	v1 =	vmul.f32 v2, v1;
	v2 =	vsel vm0, v6, v4;
	v4, _, _ =	vpop (xrf2)  }
0x8d: {  	v7 =	vbroadcast v7, $0xF;
	(xrf2) =	vadd.scan.msk.f32 $0xffff, v3;
	v4 =	vbroadcast v4, $0xF  }
0x8e: {  	v3 =	vbroadcast v5, $0xF  }
0x8f: {  	v0 =	vadd.f32 v1, v0;
	v2 =	vsel vm1, v2, v7  }
0x90: {  	v1 =	vsel vm2, v2, v3;
	v2 =	vbroadcast v19, $0xF;
	v3 =	vbroadcast v16, $0xF  }
0x91: {  	v1 =	vsel vm3, v1, v4;
	v4, _, _ =	vpop (xrf2)  }
0x92: {  	(xrf2) =	vadd.scan.msk.f32 $0xffff, v0;
	v0 =	vsel vm4, v1, v2;
	v1 =	vbroadcast v4, $0xF  }
0x93: {  	v2 =	vbroadcast v10, $0xF;
	v0 =	vsel vm5, v0, v3  }
0x94: {  	v3, _, _ =	vpop (xrf2);
	v0 =	vsel vm6, v0, v1;
	v1 =	vbroadcast v18, $0xF  }
0x95: {  	v0 =	vsel vm7, v0, v2;
	v2 =	vbroadcast v3, $0xF  }
0x96: {  	v0 =	vsel vm8, v0, v1;
	v1 =	vbroadcast v20, $0xF  }
0x97: {  	v3, _, _ =	vpop (xrf2);
	v0 =	vsel vm9, v0, v2  }
0x98: {  	v2 =	vbroadcast v9, $0xF;
	v0 =	vsel vm10, v0, v1;
	v1 =	vbroadcast v3, $0xF;
	_ =	sdelay $0x1  }
0x99: {  	v0 =	vsel vm11, v0, v2;
	v2 =	vbroadcast v14, $0xF  }
0x9a: {  	v0 =	vsel vm12, v0, v1  }
0x9b: {  	v0 =	vsel vm13, v0, v2;
	v1, _, _ =	vpop (xrf2)  }
0x9c: {  	v0 =	vsel vm14, v0, v1  }
0x9d: {  	s19 =	simm.s32 $0x200;
	[tilespmem:s17+$0x0] =	vst v0  }
0x9e: {  	v0 =	vld [tilespmem:s19+$0x87E0]  }
0x9f: {  	v1 =	vld [tilespmem:s19+$0x7E0]  }
0xa0: {  	v2 =	vld [tilespmem:s19+$0x47E0]  }
0xa1: {  	v9 =	vld [tilespmem:s19+$0x87C0]  }
0xa2: {  	v13 =	vld [tilespmem:s19+$0x87D0]  }
0xa3: {  	v14 =	vld [tilespmem:s19+$0x7C0]  }
0xa4: {  	v16 =	vld [tilespmem:s19+$0x47C0]  }
0xa5: {  	v17 =	vld [tilespmem:s19+$0x7D0]  }
0xa6: {  	v18 =	vld [tilespmem:s19+$0x47D0]  }
0xa7: {  	v20 =	vld [tilespmem:s19+$0x8780]  }
0xa8: {  	v21 =	vld [tilespmem:s19+$0x8790]  }
0xa9: {  	v3 =	vld [tilespmem:s19+$0x7A0]  }
0xaa: {  	v4 =	vld [tilespmem:s19+$0x47A0]  }
0xab: {  	v5 =	vld [tilespmem:s19+$0x7B0]  }
0xac: {  	v22 =	vld [tilespmem:s19+$0x8760]  }
0xad: {  	v23 =	vld [tilespmem:s19+$0x8770]  }
0xae: {  	v19 =	vld [tilespmem:s19+$0x780]  }
0xaf: {  	v24 =	vld [tilespmem:s19+$0x4780]  }
0xb0: {  	v25 =	vld [tilespmem:s19+$0x790]  }
0xb1: {  	v26 =	vld [tilespmem:s19+$0x4790]  }
0xb2: {  	v27 =	vld [tilespmem:s19+$0x760]  }
0xb3: {  	v28 =	vld [tilespmem:s19+$0x4760]  }
0xb4: {  	v29 =	vld [tilespmem:s19+$0x770]  }
0xb5: {  	v30 =	vld [tilespmem:s19+$0x4770]  }
0xb6: {  	v31 =	vld [tilespmem:s19+$0x8720]  }
0xb7: {  	v32 =	vld [tilespmem:s19+$0x8730]  }
0xb8: {  	v6 =	vld [tilespmem:s19+$0x740]  }
0xb9: {  	v7 =	vld [tilespmem:s19+$0x4740]  }
0xba: {  	v8 =	vld [tilespmem:s19+$0x750]  }
0xbb: {  	v33 =	vld [tilespmem:s19+$0x8700]  }
0xbc: {  	v34 =	vld [tilespmem:s19+$0x8710]  }
0xbd: {  	v35 =	vld [tilespmem:s19+$0x720]  }
0xbe: {  	v36 =	vld [tilespmem:s19+$0x4720]  }
0xbf: {  	v37 =	vld [tilespmem:s19+$0x730]  }
0xc0: {  	v38 =	vld [tilespmem:s19+$0x4730]  }
0xc1: {  	v39 =	vld [tilespmem:s19+$0x700]  }
0xc2: {  	v40 =	vld [tilespmem:s19+$0x4700]  }
0xc3: {  	v41 =	vld [tilespmem:s19+$0x710]  }
0xc4: {  	v42 =	vld [tilespmem:s19+$0x4710]  }
0xc5: {  	v43 =	vld [tilespmem:s19+$0x86C0]  }
0xc6: {  	v44 =	vld [tilespmem:s19+$0x86D0]  }
0xc7: {  	v10 =	vld [tilespmem:s19+$0x6E0]  }
0xc8: {  	v11 =	vld [tilespmem:s19+$0x46E0]  }
0xc9: {  	v12 =	vld [tilespmem:s19+$0x6F0]  }
0xca: {  	v45 =	vld [tilespmem:s19+$0x86A0]  }
0xcb: {  	v46 =	vld [tilespmem:s19+$0x86B0]  }
0xcc: {  	v47 =	vld [tilespmem:s19+$0x6C0]  }
0xcd: {  	v48 =	vld [tilespmem:s19+$0x46C0]  }
0xce: {  	v49 =	vld [tilespmem:s19+$0x6D0]  }
0xcf: {  	v60 =	vld [tilespmem:s19+$0x46D0]  }
0xd0: {  	v51 =	vld [tilespmem:s19+$0x6A0]  }
0xd1: {  	v61 =	vld [tilespmem:s19+$0x46A0]  }
0xd2: {  	v62 =	vld [tilespmem:s19+$0x6B0]  }
0xd3: {  	v63 =	vld [tilespmem:s19+$0x46B0]  }
0xd4: {  	v55 =	vld [tilespmem:s19+$0x8660];
	v14 =	vmul.f32 v16, v14;
	v18 =	vmul.f32 v18, v17  }
0xd5: {  	v56 =	vld [tilespmem:s19+$0x8670]  }
0xd6: {  	v15 =	vld [tilespmem:s19+$0x680];
	v9 =	vmul.f32 v9, v14;
	v13 =	vmul.f32 v13, v18  }
0xd7: {  	v58 =	vld [tilespmem:s19+$0x640];
	v14 =	vmul.f32 v24, v19;
	v24 =	vmul.f32 v26, v25  }
0xd8: {  	v59 =	vld [tilespmem:s19+$0x650];
	v25 =	vmul.f32 v28, v27;
	v26 =	vmul.f32 v30, v29  }
0xd9: {  	v16 =	vld [tilespmem:s19+$0x4680];
	v14 =	vmul.f32 v20, v14;
	v20 =	vmul.f32 v21, v24;
	v9 =	vadd.f32 v13, v9  }
0xda: {  	v17 =	vld [tilespmem:s19+$0x690];
	v13 =	vmul.f32 v22, v25;
	v21 =	vmul.f32 v23, v26  }
0xdb: {  	v18 =	vld [tilespmem:s19+$0x8640];
	v14 =	vadd.f32 v20, v14;
	(xrf2) =	vadd.scan.msk.f32 $0xffff, v9  }
0xdc: {  	v19 =	vld [tilespmem:s19+$0x8650];
	v22 =	vmul.f32 v38, v37;
	v9 =	vadd.f32 v21, v13;
	v13 =	vmul.f32 v36, v35  }
0xdd: {  	v27 =	vld [tilespmem:s19+$0x660];
	(xrf2) =	vadd.scan.msk.f32 $0xffff, v14  }
0xde: {  	v28 =	vld [tilespmem:s19+$0x4660];
	(xrf2) =	vadd.scan.msk.f32 $0xffff, v9;
	v9 =	vmul.f32 v31, v13;
	v13 =	vmul.f32 v32, v22  }
0xdf: {  	v29 =	vld [tilespmem:s19+$0x4670];
	v23 =	vmul.f32 v42, v41;
	v14 =	vmul.f32 v40, v39  }
0xe0: {  	v25 =	vld [tilespmem:s19+$0x670];
	v26 =	vmul.f32 v60, v49;
	v9 =	vadd.f32 v13, v9  }
0xe1: {  	v60 =	vld [tilespmem:s19+$0x4650];
	v24 =	vmul.f32 v34, v23;
	v14 =	vmul.f32 v33, v14  }
0xe2: {  	v20 =	vld [tilespmem:s19+$0x8600];
	v23 =	vmul.f32 v48, v47;
	(xrf2) =	vadd.scan.msk.f32 $0xffff, v9  }
0xe3: {  	v21 =	vld [tilespmem:s19+$0x8610];
	v26 =	vmul.f32 v44, v26;
	v14 =	vadd.f32 v24, v14  }
0xe4: {  	v28 =	vmul.f32 v28, v27;
	v27 =	vld [tilespmem:s19+$0x4620];
	v13 =	vmul.f32 v43, v23  }
0xe5: {  	v30 =	vmul.f32 v61, v51;
	v61 =	vmul.f32 v63, v62;
	v31 =	vld [tilespmem:s19+$0x4640];
	v9, _, _ =	vpop (xrf2);
	(xrf2) =	vadd.scan.msk.f32 $0xffff, v14  }
0xe6: {  	v22 =	vld [tilespmem:s19+$0x4600];
	v62 =	vadd.f32 v26, v13  }
0xe7: {  	v30 =	vmul.f32 v45, v30;
	v34 =	vmul.f32 v46, v61;
	v23 =	vld [tilespmem:s19+$0x600]  }
0xe8: {  	v63 =	vmul.f32 v29, v25;
	v24 =	vld [tilespmem:s19+$0x610];
	v13, _, _ =	vpop (xrf2);
	(xrf2) =	vadd.scan.msk.f32 $0xffff, v62  }
0xe9: {  	v34 =	vadd.f32 v34, v30;
	v26 =	vld [tilespmem:s19+$0x4610]  }
0xea: {  	v25 =	vld [tilespmem:s19+$0x620];
	v29 =	vmul.f32 v55, v28;
	v30 =	vmul.f32 v56, v63  }
0xeb: {  	s21 =	simm.s32 $0x1000;
	s20 =	simm.s32 $0xC600;
	v28 =	vld [tilespmem:s19+$0x630];
	v32 =	vmul.f32 v60, v59;
	v31 =	vmul.f32 v31, v58;
	v14, _, _ =	vpop (xrf2);
	(xrf2) =	vadd.scan.msk.f32 $0xffff, v34  }
.LBB2_2:
0xec: {  	p0 =	sne.s32 s21, $0xF800;
	v33 =	vld [tilespmem:s19+$0x4630];
	v29 =	vadd.f32 v30, v29;
	v30, _, _ =	vpop (xrf2)  }
0xed: {  	v34 =	vld [tilespmem:s19+$0x8620];
	v18 =	vmul.f32 v18, v31;
	v19 =	vmul.f32 v19, v32  }
0xee: {  	v22 =	vmul.f32 v22, v23;
	v23 =	vmul.f32 v26, v24;
	v24 =	vld [tilespmem:s19+$0x8630];
	(xrf2) =	vadd.scan.msk.f32 $0xffff, v29  }
0xef: {  	v18 =	vadd.f32 v19, v18;
	v19 =	vld [tilespmem:s19+$0x4690];
	v26, _, _ =	vpop (xrf2)  }
0xf0: {  	v20 =	vmul.f32 v20, v22;
	v29 =	vmul.f32 v21, v23;
	v22 =	vld [tilespmem:s19+$0x8680]  }
0xf1: {  	v23 =	vmul.f32 v27, v25;
	v25 =	vmul.f32 v33, v28;
	v27 =	vld [tilespmem:s19+$0x8690];
	(xrf2) =	vadd.scan.msk.f32 $0xffff, v18  }
0xf2: {  	v18 =	vadd.f32 v29, v20;
	v20 =	vld [tilespmem:s19+$0x46F0];
	v21, _, _ =	vpop (xrf2)  }
0xf3: {  	v28 =	vmul.f32 v34, v23;
	v24 =	vmul.f32 v24, v25;
	v25 =	vld [tilespmem:s19+$0x86E0]  }
0xf4: {  	v15 =	vmul.f32 v16, v15;
	v16 =	vmul.f32 v19, v17;
	v17 =	vld [tilespmem:s19+$0x86F0];
	(xrf2) =	vadd.scan.msk.f32 $0xffff, v18  }
0xf5: {  	v24 =	vadd.f32 v24, v28;
	v19 =	vld [tilespmem:s19+$0x4750];
	v23, _, _ =	vpop (xrf2)  }
0xf6: {  	v15 =	vmul.f32 v22, v15;
	v16 =	vmul.f32 v27, v16;
	v22 =	vld [tilespmem:s19+$0x8740]  }
0xf7: {  	v10 =	vmul.f32 v11, v10;
	v11 =	vmul.f32 v20, v12;
	v12 =	vld [tilespmem:s19+$0x8750];
	(xrf2) =	vadd.scan.msk.f32 $0xffff, v24  }
0xf8: {  	v20 =	vadd.f32 v16, v15;
	v16 =	vld [tilespmem:s19+$0x47B0];
	v18, _, _ =	vpop (xrf2)  }
0xf9: {  	v10 =	vmul.f32 v25, v10;
	v11 =	vmul.f32 v17, v11;
	v17 =	vld [tilespmem:s19+$0x87A0]  }
0xfa: {  	v6 =	vmul.f32 v7, v6;
	v7 =	vmul.f32 v19, v8;
	v8 =	vld [tilespmem:s19+$0x87B0];
	(xrf2) =	vadd.scan.msk.f32 $0xffff, v20  }
0xfb: {  	v10 =	vadd.f32 v11, v10;
	v11 =	vld [tilespmem:s19+$0x7F0];
	v15, _, _ =	vpop (xrf2)  }
0xfc: {  	v19 =	vmul.f32 v22, v6;
	v7 =	vmul.f32 v12, v7;
	v12 =	vld [tilespmem:s19+$0x47F0]  }
0xfd: {  	v3 =	vmul.f32 v4, v3;
	v4 =	vmul.f32 v16, v5;
	(xrf2) =	vadd.scan.msk.f32 $0xffff, v10  }
0xfe: {  	v1 =	vmul.f32 v2, v1;
	v5 =	vadd.f32 v7, v19;
	v2 =	vld [tilespmem:s19+$0x87F0];
	v6, _, _ =	vpop (xrf2)  }
0xff: {  	v3 =	vmul.f32 v17, v3;
	v7 =	vmul.f32 v8, v4  }
0x100: {  	(xrf2) =	vadd.scan.msk.f32 $0xffff, v5  }
0x101: {  	v0 =	vmul.f32 v0, v1;
	v3 =	vadd.f32 v7, v3;
	v1 =	vmul.f32 v12, v11;
	v4, _, _ =	vpop (xrf2)  }
0x102: {  	v5 =	vbroadcast v6, $0xF;
	v7 =	vbroadcast v4, $0xF  }
0x103: {  	v6 =	vbroadcast v15, $0xF;
	v1 =	vmul.f32 v2, v1;
	(xrf2) =	vadd.scan.msk.f32 $0xffff, v3  }
0x104: {  	v3 =	vbroadcast v18, $0xF;
	v2 =	vsel vm0, v5, v7;
	v4, _, _ =	vpop (xrf2)  }
0x105: {  	v2 =	vsel vm1, v2, v6;
	v5 =	vbroadcast v4, $0xF;
	v0 =	vadd.f32 v1, v0  }
0x106: {  	v1 =	vsel vm2, v2, v3;
	v2 =	vbroadcast v23, $0xF  }
0x107: {  	v1 =	vsel vm3, v1, v5;
	v5 =	vbroadcast v21, $0xF;
	v4, _, _ =	vpop (xrf2);
	(xrf2) =	vadd.scan.msk.f32 $0xffff, v0  }
0x108: {  	v0 =	vsel vm4, v1, v2;
	v1 =	vbroadcast v4, $0xF  }
0x109: {  	v2 =	vbroadcast v26, $0xF;
	v0 =	vsel vm5, v0, v5  }
0x10a: {  	v0 =	vsel vm6, v0, v1;
	v1 =	vbroadcast v30, $0xF;
	v3, _, _ =	vpop (xrf2)  }
0x10b: {  	v0 =	vsel vm7, v0, v2;
	v2 =	vbroadcast v3, $0xF  }
0x10c: {  	v0 =	vsel vm8, v0, v1;
	v1 =	vbroadcast v14, $0xF  }
0x10d: {  	v0 =	vsel vm9, v0, v2;
	v2 =	vbroadcast v13, $0xF;
	v3, _, _ =	vpop (xrf2)  }
0x10e: {  	v0 =	vsel vm10, v0, v1;
	v3 =	vbroadcast v3, $0xF  }
0x10f: {  	v0 =	vsel vm11, v0, v2;
	v2 =	vbroadcast v9, $0xF  }
0x110: {  	v0 =	vsel vm12, v0, v3  }
0x111: {  	v0 =	vsel vm13, v0, v2;
	v1, _, _ =	vpop (xrf2)  }
0x112: {  	s20 =	sadd.s32 $0x10, s20;
	v0 =	vsel vm14, v0, v1  }
0x113: {  	s19 =	sshra.s32 s21, $0x2;
	[tilespmem:s20+$0x0] =	vst v0  }
0x114: {  	v0 =	vld [tilespmem:s19+$0x87E0]  }
0x115: {  	v1 =	vld [tilespmem:s19+$0x7E0]  }
0x116: {  	v2 =	vld [tilespmem:s19+$0x47E0]  }
0x117: {  	v9 =	vld [tilespmem:s19+$0x87C0]  }
0x118: {  	v13 =	vld [tilespmem:s19+$0x87D0]  }
0x119: {  	v14 =	vld [tilespmem:s19+$0x7C0]  }
0x11a: {  	v15 =	vld [tilespmem:s19+$0x47C0]  }
0x11b: {  	v16 =	vld [tilespmem:s19+$0x7D0]  }
0x11c: {  	v17 =	vld [tilespmem:s19+$0x47D0]  }
0x11d: {  	v18 =	vld [tilespmem:s19+$0x8780]  }
0x11e: {  	v19 =	vld [tilespmem:s19+$0x8790]  }
0x11f: {  	v3 =	vld [tilespmem:s19+$0x7A0]  }
0x120: {  	v4 =	vld [tilespmem:s19+$0x47A0]  }
0x121: {  	v5 =	vld [tilespmem:s19+$0x7B0]  }
0x122: {  	v20 =	vld [tilespmem:s19+$0x8760]  }
0x123: {  	v21 =	vld [tilespmem:s19+$0x8770]  }
0x124: {  	v22 =	vld [tilespmem:s19+$0x780]  }
0x125: {  	v23 =	vld [tilespmem:s19+$0x4780]  }
0x126: {  	v24 =	vld [tilespmem:s19+$0x790]  }
0x127: {  	v25 =	vld [tilespmem:s19+$0x4790]  }
0x128: {  	v26 =	vld [tilespmem:s19+$0x760]  }
0x129: {  	v27 =	vld [tilespmem:s19+$0x4760]  }
0x12a: {  	v28 =	vld [tilespmem:s19+$0x770]  }
0x12b: {  	v29 =	vld [tilespmem:s19+$0x4770]  }
0x12c: {  	v30 =	vld [tilespmem:s19+$0x8720]  }
0x12d: {  	v31 =	vld [tilespmem:s19+$0x8730]  }
0x12e: {  	v6 =	vld [tilespmem:s19+$0x740]  }
0x12f: {  	v7 =	vld [tilespmem:s19+$0x4740]  }
0x130: {  	v8 =	vld [tilespmem:s19+$0x750]  }
0x131: {  	v32 =	vld [tilespmem:s19+$0x8700]  }
0x132: {  	v33 =	vld [tilespmem:s19+$0x8710]  }
0x133: {  	v34 =	vld [tilespmem:s19+$0x720]  }
0x134: {  	v35 =	vld [tilespmem:s19+$0x4720]  }
0x135: {  	v36 =	vld [tilespmem:s19+$0x730]  }
0x136: {  	v37 =	vld [tilespmem:s19+$0x4730]  }
0x137: {  	v38 =	vld [tilespmem:s19+$0x700]  }
0x138: {  	v39 =	vld [tilespmem:s19+$0x4700]  }
0x139: {  	v40 =	vld [tilespmem:s19+$0x710]  }
0x13a: {  	v41 =	vld [tilespmem:s19+$0x4710]  }
0x13b: {  	v42 =	vld [tilespmem:s19+$0x86C0]  }
0x13c: {  	v43 =	vld [tilespmem:s19+$0x86D0]  }
0x13d: {  	v10 =	vld [tilespmem:s19+$0x6E0]  }
0x13e: {  	v11 =	vld [tilespmem:s19+$0x46E0]  }
0x13f: {  	v12 =	vld [tilespmem:s19+$0x6F0]  }
0x140: {  	v44 =	vld [tilespmem:s19+$0x86A0]  }
0x141: {  	v45 =	vld [tilespmem:s19+$0x86B0]  }
0x142: {  	v46 =	vld [tilespmem:s19+$0x6C0]  }
0x143: {  	v47 =	vld [tilespmem:s19+$0x46C0]  }
0x144: {  	v48 =	vld [tilespmem:s19+$0x6D0]  }
0x145: {  	v49 =	vld [tilespmem:s19+$0x46D0]  }
0x146: {  	v50 =	vld [tilespmem:s19+$0x6A0]  }
0x147: {  	v51 =	vld [tilespmem:s19+$0x46A0]  }
0x148: {  	v52 =	vld [tilespmem:s19+$0x6B0]  }
0x149: {  	v14 =	vmul.f32 v15, v14;
	v15 =	vmul.f32 v17, v16;
	v53 =	vld [tilespmem:s19+$0x46B0]  }
0x14a: {  	v54 =	vld [tilespmem:s19+$0x8660]  }
0x14b: {  	v9 =	vmul.f32 v9, v14;
	v13 =	vmul.f32 v13, v15;
	v55 =	vld [tilespmem:s19+$0x8670]  }
0x14c: {  	v14 =	vmul.f32 v23, v22;
	v22 =	vmul.f32 v25, v24;
	v15 =	vld [tilespmem:s19+$0x680]  }
0x14d: {  	v9 =	vadd.f32 v13, v9;
	v16 =	vld [tilespmem:s19+$0x4680]  }
0x14e: {  	v13 =	vmul.f32 v18, v14;
	v14 =	vmul.f32 v19, v22;
	v17 =	vld [tilespmem:s19+$0x690]  }
0x14f: {  	v22 =	vmul.f32 v27, v26;
	v23 =	vmul.f32 v29, v28;
	v18 =	vld [tilespmem:s19+$0x8640];
	(xrf2) =	vadd.scan.msk.f32 $0xffff, v9  }
0x150: {  	v9 =	vadd.f32 v14, v13;
	v19 =	vld [tilespmem:s19+$0x8650]  }
0x151: {  	v13 =	vmul.f32 v20, v22;
	v20 =	vmul.f32 v21, v23;
	v14 =	vld [tilespmem:s19+$0x660]  }
0x152: {  	v21 =	vmul.f32 v35, v34;
	v22 =	vmul.f32 v37, v36;
	v25 =	vld [tilespmem:s19+$0x4660];
	(xrf2) =	vadd.scan.msk.f32 $0xffff, v9  }
0x153: {  	v9 =	vadd.f32 v20, v13;
	v27 =	vld [tilespmem:s19+$0x670]  }
0x154: {  	v22 =	vmul.f32 v31, v22;
	v13 =	vmul.f32 v30, v21;
	v28 =	vld [tilespmem:s19+$0x4670]  }
0x155: {  	v24 =	vmul.f32 v41, v40;
	v23 =	vmul.f32 v39, v38;
	v20 =	vld [tilespmem:s19+$0x8600];
	(xrf2) =	vadd.scan.msk.f32 $0xffff, v9  }
0x156: {  	v26 =	vadd.f32 v22, v13;
	v21 =	vld [tilespmem:s19+$0x8610]  }
0x157: {  	v13 =	vmul.f32 v32, v23;
	v22 =	vmul.f32 v33, v24;
	v31 =	vld [tilespmem:s19+$0x640]  }
0x158: {  	v23 =	vmul.f32 v47, v46;
	v24 =	vmul.f32 v49, v48;
	v32 =	vld [tilespmem:s19+$0x4640];
	(xrf2) =	vadd.scan.msk.f32 $0xffff, v26  }
0x159: {  	v36 =	vadd.f32 v22, v13;
	v33 =	vld [tilespmem:s19+$0x650];
	v9, _, _ =	vpop (xrf2)  }
0x15a: {  	v24 =	vmul.f32 v43, v24;
	v26 =	vmul.f32 v42, v23;
	v34 =	vld [tilespmem:s19+$0x4650]  }
0x15b: {  	v29 =	vmul.f32 v51, v50;
	v30 =	vmul.f32 v53, v52;
	v22 =	vld [tilespmem:s19+$0x4600];
	(xrf2) =	vadd.scan.msk.f32 $0xffff, v36  }
0x15c: {  	v35 =	vadd.f32 v24, v26;
	v23 =	vld [tilespmem:s19+$0x600];
	v13, _, _ =	vpop (xrf2)  }
.Ltmp0:
0x15d: {  	v29 =	vmul.f32 v44, v29;
	v30 =	vmul.f32 v45, v30;
	v24 =	vld [tilespmem:s19+$0x610];
	(pc) =	sbr.rel @p0 .LBB2_2-.Ltmp0, $4  }
0x15e: {  	v28 =	vmul.f32 v28, v27;
	v36 =	vmul.f32 v25, v14;
	v26 =	vld [tilespmem:s19+$0x4610];
	(xrf2) =	vadd.scan.msk.f32 $0xffff, v35  }
0x15f: {  	v35 =	vadd.f32 v30, v29;
	v25 =	vld [tilespmem:s19+$0x620];
	v14, _, _ =	vpop (xrf2)  }
0x160: {  	v29 =	vmul.f32 v54, v36;
	v30 =	vmul.f32 v55, v28;
	v27 =	vld [tilespmem:s19+$0x4620]  }
0x161: {  	s21 =	sadd.s32 $0x800, s21;
	v31 =	vmul.f32 v32, v31;
	v32 =	vmul.f32 v34, v33;
	v28 =	vld [tilespmem:s19+$0x630];
	(xrf2) =	vadd.scan.msk.f32 $0xffff, v35  }
0x162: {  	v33 =	vld [tilespmem:s19+$0x4630]  }
0x163: {  	v34 =	vld [tilespmem:s19+$0x8620]  }
0x164: {  	v35 =	vld [tilespmem:s19+$0x8630]  }
0x165: {  	v49 =	vld [tilespmem:s19+$0x4690];
	v22 =	vmul.f32 v22, v23;
	v18 =	vmul.f32 v18, v31  }
0x166: {  	v51 =	vld [tilespmem:s19+$0x8680];
	v19 =	vmul.f32 v19, v32;
	v50 =	vmul.f32 v26, v24  }
0x167: {  	v53 =	vld [tilespmem:s19+$0x8690];
	v25 =	vmul.f32 v27, v25;
	v52 =	vmul.f32 v33, v28  }
0x168: {  	v54 =	vadd.f32 v30, v29;
	v55 =	vld [tilespmem:s19+$0x46F0];
	v20 =	vmul.f32 v20, v22;
	v21 =	vmul.f32 v21, v50  }
0x169: {  	v58 =	vld [tilespmem:s19+$0x86E0];
	v18 =	vadd.f32 v19, v18;
	v56 =	vmul.f32 v34, v25;
	v57 =	vmul.f32 v35, v52  }
0x16a: {  	v15 =	vmul.f32 v16, v15;
	v60 =	vld [tilespmem:s19+$0x86F0];
	(xrf2) =	vadd.scan.msk.f32 $0xffff, v54;
	v20 =	vadd.f32 v21, v20;
	v59 =	vmul.f32 v49, v17  }
0x16b: {  	v62 =	vld [tilespmem:s19+$0x4750];
	(xrf2) =	vadd.scan.msk.f32 $0xffff, v18;
	v61 =	vadd.f32 v57, v56  }
0x16c: {  	v63 =	vld [tilespmem:s19+$0x8740];
	v15 =	vmul.f32 v51, v15;
	(xrf2) =	vadd.scan.msk.f32 $0xffff, v20;
	v16 =	vmul.f32 v53, v59  }
0x16d: {  	v10 =	vmul.f32 v11, v10;
	v26 =	vld [tilespmem:s19+$0x8750];
	v24 =	vmul.f32 v55, v12;
	(xrf2) =	vadd.scan.msk.f32 $0xffff, v61  }
0x16e: {  	v27 =	vld [tilespmem:s19+$0x47B0];
	v15 =	vadd.f32 v16, v15  }
0x16f: {  	v31 =	vld [tilespmem:s19+$0x87B0];
	v10 =	vmul.f32 v58, v10;
	v11 =	vmul.f32 v60, v24  }
0x170: {  	v29, _, _ =	vpop (xrf2);
	v6 =	vmul.f32 v7, v6;
	v28 =	vld [tilespmem:s19+$0x87A0];
	v30 =	vmul.f32 v62, v8;
	(xrf2) =	vadd.scan.msk.f32 $0xffff, v15  }
0x171: {  	v32, _, _ =	vpop (xrf2);
	v33 =	vld [tilespmem:s19+$0x7F0];
	v10 =	vadd.f32 v11, v10  }
0x172: {  	v6 =	vmul.f32 v63, v6;
	v34, _, _ =	vpop (xrf2);
	v7 =	vmul.f32 v26, v30;
	v35 =	vld [tilespmem:s19+$0x47F0]  }
0x173: {  	v3 =	vmul.f32 v4, v3;
	v37 =	vmul.f32 v27, v5;
	v36, _, _ =	vpop (xrf2);
	(xrf2) =	vadd.scan.msk.f32 $0xffff, v10  }
0x174: {  	v1 =	vmul.f32 v2, v1;
	v39 =	vld [tilespmem:s19+$0x87F0];
	v6 =	vadd.f32 v7, v6;
	v38, _, _ =	vpop (xrf2)  }
0x175: {  	v3 =	vmul.f32 v28, v3;
	v4 =	vmul.f32 v31, v37;
	v40, _, _ =	vpop (xrf2)  }
0x176: {  	(xrf2) =	vadd.scan.msk.f32 $0xffff, v6;
	v41, _, _ =	vpop (xrf2)  }
0x177: {  	v0 =	vmul.f32 v0, v1;
	v3 =	vadd.f32 v4, v3;
	v42 =	vmul.f32 v35, v33;
	v43, _, _ =	vpop (xrf2)  }
0x178: {  	v44 =	vbroadcast v41, $0xF;
	v4 =	vbroadcast v43, $0xF  }
0x179: {  	v1 =	vmul.f32 v39, v42;
	(xrf2) =	vadd.scan.msk.f32 $0xffff, v3;
	v7 =	vbroadcast v40, $0xF  }
0x17a: {  	v46 =	vbroadcast v38, $0xF;
	v47, _, _ =	vpop (xrf2);
	v45 =	vsel vm0, v44, v4  }
0x17b: {  	v0 =	vadd.f32 v1, v0;
	v4 =	vbroadcast v47, $0xF;
	v2 =	vsel vm1, v45, v7  }
0x17c: {  	v49 =	vbroadcast v36, $0xF;
	v48 =	vsel vm2, v2, v46  }
0x17d: {  	v50 =	vbroadcast v34, $0xF;
	(xrf2) =	vadd.scan.msk.f32 $0xffff, v0;
	v51, _, _ =	vpop (xrf2);
	v1 =	vsel vm3, v48, v4  }
0x17e: {  	v53 =	vbroadcast v51, $0xF;
	v52 =	vsel vm4, v1, v49  }
0x17f: {  	v54 =	vbroadcast v32, $0xF;
	v0 =	vsel vm5, v52, v50  }
0x180: {  	v55 =	vbroadcast v29, $0xF;
	v56, _, _ =	vpop (xrf2);
	v0 =	vsel vm6, v0, v53  }
0x181: {  	v57 =	vbroadcast v56, $0xF;
	v0 =	vsel vm7, v0, v54  }
0x182: {  	v58 =	vbroadcast v14, $0xF;
	v0 =	vsel vm8, v0, v55  }
0x183: {  	v59 =	vbroadcast v13, $0xF;
	v60, _, _ =	vpop (xrf2);
	v0 =	vsel vm9, v0, v57  }
0x184: {  	v61 =	vbroadcast v60, $0xF;
	v0 =	vsel vm10, v0, v58  }
0x185: {  	v62 =	vbroadcast v9, $0xF;
	v0 =	vsel vm11, v0, v59  }
0x186: {  	v0 =	vsel vm12, v0, v61  }
0x187: {  	s18 =	sadd.s32 $0x1, s18;
	v63, _, _ =	vpop (xrf2);
	v0 =	vsel vm13, v0, v62  }
0x188: {  	s31 =	sadd.s32 $0x10, s20;
	p0 =	sne.s32 s18, s9;
	v0 =	vsel vm14, v0, v63  }
.Ltmp1:
0x189: {  	[tilespmem:s31+$0x0] =	vst v0;
	(pc) =	sbr.rel @p0 .LBB2_1-.Ltmp1, $4  }
0x18a: {  	[hbm4b:s8+s2] =	stream.linear.scatter [tilespmem:s17], [sflag:$0x2], $0x200, $0x38;
	[tilespmem:$0xC800] =	vst v63  }
0x18b: {  	_ =	swait.ge [sflag:s10], $0x200  }
0x18c: {  	[sflag:s10] =	ssyncset.done $0x0  }
0x18d: {  	[sflag:s10] =	ssyncadd.s32 $0xFFFFFE00  }
0x18e: {  	_ =	sfence.sel $0x180000  }
0x18f: {  	[bflag:$0x0] =	sbarrier.arrive $0xFFFF  }
0x190: {  	p0 =	sne.s32 s1, $0x0;
	_ =	strace $0x90000047  }
0x191: {  	s0 =	sadd.s32 @!p0 $0x100000, s0;
	[bflag:$0x2] =	sbarrier.arrive $0xFFFF  }
0x192: {  	[sflag:s0] =	ssyncadd.tile.s32 @!p0 $0x1;
	_ =	shalt  }
.Lfunc_end2:
_tile_overlayer_lowered:
.L_overlay_start_2:
0x193: {  	(tag) =	ssettag $0x2  }
0x194: {  	s0 =	rddreg [dreg:$0x0];
	s2 =	stileid.u32  }
0x195: {  	s1 =	rddreg [dreg:$0x1];
	p0 =	sne.s32 s2, $0x0  }
0x196: {  	s3 =	rddreg [dreg:$0x2];
	[bflag:$0x3] =	sbarrier.arrive $0xFFFF;
	s2 =	simm.s32 @!p0 $0x1C02  }
0x197: {  	[timem:s3], [sflag:s2] =	dma.local @!p0 [hbm:s0], s1  }
0x198: {  	s0 =	simm.s32 @!p0 $0x2  }
0x199: {  	_ =	swait.ge @!p0 [sflag:s0], s1  }
0x19a: {  	s1 =	ssub.s32 @!p0 $0x0, s1;
	[sflag:s0] =	ssyncset.done @!p0 $0x0  }
0x19b: {  	[sflag:s0] =	ssyncadd.s32 @!p0 s1  }
0x19c: {  	[bflag:$0x3] =	sbarrier.arrive $0xFFFF  }
0x19d: {  	_ =	shalt  }

</sc_bundles>
